<compile_context>
chip_gen: v7x
topology: tpu7x:2x2x1
jax: 0.10.2.dev20260603
libtpu: 0.0.44.dev20260713+nightly
codegen_flags: <defaults>
</compile_context>

<pallas_src>
import functools

import jax
import jax.numpy as jnp
from jax import lax
from jax.experimental import pallas as pl
from jax.experimental.pallas import tpu as pltpu
from jax.experimental.pallas import tpu_sc as plsc

HEAD = 4096
D = 64
_HEAD_BLK = 512


def _head_body(ci_ref, ct_ref, rt_ref, w_ref, b_ref, out_ref):
    rows = ct_ref.shape[0]
    base = pl.program_id(0) * rows
    row_ids = base + lax.broadcasted_iota(jnp.int32, (rows, 1), 0)
    member = jnp.any(row_ids == ci_ref[...], axis=1, keepdims=True)
    proj = lax.dot_general(ct_ref[...], w_ref[...], (((1,), (1,)), ((), ())),
                           preferred_element_type=jnp.float32)
    out_ref[...] = jnp.where(member, proj, rt_ref[...]) + b_ref[...]


def _build_head(custom_indices, custom_table, regular_head, W, b):
    n_ci = custom_indices.shape[0]
    ci2 = custom_indices.reshape(1, n_ci).astype(jnp.int32)
    b2 = b.reshape(1, D)
    return pl.pallas_call(
        _head_body,
        grid=(HEAD // _HEAD_BLK,),
        in_specs=[
            pl.BlockSpec((1, n_ci), lambda i: (0, 0)),
            pl.BlockSpec((_HEAD_BLK, D), lambda i: (i, 0)),
            pl.BlockSpec((_HEAD_BLK, D), lambda i: (i, 0)),
            pl.BlockSpec((D, D), lambda i: (0, 0)),
            pl.BlockSpec((1, D), lambda i: (0, 0)),
        ],
        out_specs=pl.BlockSpec((_HEAD_BLK, D), lambda i: (i, 0)),
        out_shape=jax.ShapeDtypeStruct((HEAD, D), jnp.float32),
    )(ci2, custom_table, regular_head, W, b2)


def _sc_gather(table, idx_flat):
    info = plsc.get_sparse_core_info()
    nc, ns = info.num_cores, info.num_subcores
    nw = nc * ns
    n = idx_flat.shape[0]
    tpw = n // nw
    chunk = 400
    nch = tpw // chunk
    nbuf = 4

    mesh = plsc.VectorSubcoreMesh(core_axis_name="c", subcore_axis_name="s")

    @functools.partial(
        pl.kernel, mesh=mesh,
        out_type=jax.ShapeDtypeStruct((n, D), jnp.float32),
        compiler_params=pltpu.CompilerParams(use_tc_tiling_on_sc=False),
        scratch_types=[pltpu.VMEM((tpw,), jnp.int32)]
                      + [pltpu.VMEM((chunk, D), jnp.float32)] * nbuf
                      + [pltpu.SemaphoreType.DMA] * nbuf,
    )
    def k(table_hbm, idx_hbm, out_hbm, idx_v, r0, r1, r2, r3,
          g0, g1, g2, g3):
        rows = (r0, r1, r2, r3)
        gsem = (g0, g1, g2, g3)
        wid = lax.axis_index("s") * nc + lax.axis_index("c")
        base = wid * tpw

        pltpu.sync_copy(idx_hbm.at[pl.ds(base, tpw)], idx_v)

        def gstart(g, p):
            pltpu.async_copy(
                table_hbm.at[idx_v.at[pl.ds(g * chunk, chunk)]],
                rows[p], gsem[p])

        def gwait(p):
            pltpu.make_async_copy(
                table_hbm.at[idx_v.at[pl.ds(0, chunk)]], rows[p],
                gsem[p]).wait()

        for p in range(nbuf):
            gstart(p, p)

        def body(i, carry):
            for p in range(nbuf):
                g = i * nbuf + p
                gwait(p)
                pltpu.sync_copy(rows[p],
                                out_hbm.at[pl.ds(base + g * chunk, chunk)])
                gstart(g + nbuf, p)
            return carry

        lax.fori_loop(0, nch // nbuf - 1, body, 0)

        for p in range(nbuf):
            g = nch - nbuf + p
            gwait(p)
            pltpu.sync_copy(rows[p],
                            out_hbm.at[pl.ds(base + g * chunk, chunk)])

    return k(table, idx_flat)


def kernel(x, custom_indices, custom_table, regular_table, W, b):
    head = _build_head(custom_indices, custom_table, regular_table[:HEAD], W, b)
    merged = jnp.concatenate([head, regular_table[HEAD:] + b], axis=0)
    idx_flat = x.reshape(-1).astype(jnp.int32)
    out = _sc_gather(merged, idx_flat)
    return out.reshape(x.shape + (D,))

# --- scband reference (transcript-rebuilt; emitter-appended) ---
"""Pipeline reference for scband-custom-embeddings-11819749998955 (READ-ONLY COPY).

The authoritative reference and input builder live on the scoring server;
editing this copy changes nothing except your own understanding.
"""

import jax, jax.numpy as jnp
import numpy as np

B, L = 16384, 50
NUM_REGULAR = 100000
CUSTOM_ROWS = 4095
CUSTOM_DIM = 64
EMBED_DIM = 64
N_CUSTOM_IDS = 2048


def setup_inputs(seed: int = 0) -> dict:
    key = jax.random.key(seed)
    k1, k2, k3, k4, k5 = jax.random.split(key, 5)
    # token indices, values in [0, NUM_REGULAR)
    x = jax.random.randint(k1, (B, L), 0, NUM_REGULAR)
    # pretrained custom embedding weights; __init__ prepends a zero padding row
    custom_w = jax.random.normal(k2, (CUSTOM_ROWS, CUSTOM_DIM), dtype=jnp.float32)
    custom_table = jnp.concatenate([jnp.zeros((1, CUSTOM_DIM), dtype=jnp.float32), custom_w], axis=0)  # [4096, 64]
    # regular embedding table, padding_idx=0 row zeroed
    regular_table = jax.random.normal(k3, (NUM_REGULAR, EMBED_DIM), dtype=jnp.float32) * 0.02
    regular_table = regular_table.at[0].set(0.0)
    # the set of indices that should use the custom (pretrained) table; < custom vocab (4096)
    custom_indices = jax.random.randint(k4, (N_CUSTOM_IDS,), 1, CUSTOM_ROWS)
    # linear transform: custom_dim -> embedding_dim
    W = jax.random.normal(k5, (EMBED_DIM, CUSTOM_DIM), dtype=jnp.float32) * (1.0 / np.sqrt(CUSTOM_DIM))
    b = jnp.zeros((EMBED_DIM,), dtype=jnp.float32)
    return {"x": x, "custom_indices": custom_indices, "custom_table": custom_table,
            "regular_table": regular_table, "W": W, "b": b}


def reference(x, custom_indices, custom_table, regular_table, W, b):
    mask = jnp.isin(x, custom_indices)
    custom_features = jnp.where(mask, x, 0)
    regular_features = jnp.where(~mask, x, 0)
    custom_embeddings = jnp.take(custom_table, custom_features, axis=0)   # [B, L, 64]
    regular_embeddings = jnp.take(regular_table, regular_features, axis=0)  # [B, L, 64]
    custom_embeddings = custom_embeddings @ W.T + b
    return custom_embeddings + regular_embeddings

if __name__ == "__main__":
    import jax
    _d = setup_inputs()
    print(jax.jit(kernel)(*tuple(_d.values())))

</pallas_src>

<mosaic_0001>
#map = affine_map<(d0, d1) -> (0, 0)>
#map1 = affine_map<(d0, d1) -> (0)>
module attributes {stable_mosaic.version = 14 : i64} {
  func.func @k(%arg0: i32, %arg1: i32, %arg2: memref<100000x64xf32, #tpu.memory_space<hbm>>, %arg3: memref<819200xi32, #tpu.memory_space<hbm>>, %arg4: memref<819200x64xf32, #tpu.memory_space<hbm>>, %arg5: memref<25600xi32, #tpu.memory_space<vmem>>, %arg6: memref<400x64xf32, #tpu.memory_space<vmem>>, %arg7: memref<400x64xf32, #tpu.memory_space<vmem>>, %arg8: memref<400x64xf32, #tpu.memory_space<vmem>>, %arg9: memref<400x64xf32, #tpu.memory_space<vmem>>, %arg10: memref<!tpu.dma_semaphore, #tpu.memory_space<semaphore_mem>>, %arg11: memref<!tpu.dma_semaphore, #tpu.memory_space<semaphore_mem>>, %arg12: memref<!tpu.dma_semaphore, #tpu.memory_space<semaphore_mem>>, %arg13: memref<!tpu.dma_semaphore, #tpu.memory_space<semaphore_mem>>) attributes {dimension_semantics = [#tpu.dimension_semantics<core_parallel>, #tpu.dimension_semantics<subcore_parallel>], iteration_bounds = array<i64: 2, 16>, scalar_prefetch = 0 : i64, scratch_operands = 9 : i64, tpu.core_type = #tpu.core_type<sc_vector_subcore>, window_params = [{transform_indices = #map}, {transform_indices = #map1}, {transform_indices = #map}]} {
    %mul3A = arith.constant 2 : i32
    %mul3A_0 = arith.muli %arg1, %mul3A : i32
    %add3A = arith.addi %mul3A_0, %arg0 : i32
    %mul3A_1 = arith.constant 25600 : i32
    %mul3A_2 = arith.muli %add3A, %mul3A_1 : i32
    "tpu.region"() ({
      %run_scoped3A = tpu.sem_alloc : memref<!tpu.dma_semaphore, #tpu.memory_space<semaphore_mem>>
      %dma_start3A_54 = tpu.memref_slice %arg3[%mul3A_2] : memref<819200xi32, #tpu.memory_space<hbm>> -> memref<25600xi32, #tpu.memory_space<hbm>>
      %dma_start3A_55 = tpu.memref_slice %arg3[%mul3A_2] : memref<819200xi32, #tpu.memory_space<hbm>> -> memref<25600xi32, #tpu.memory_space<hbm>>
      tpu.enqueue_dma source(%dma_start3A_55 : memref<25600xi32, #tpu.memory_space<hbm>>) target(%arg5 : memref<25600xi32, #tpu.memory_space<vmem>>) target_semaphore(%run_scoped3A : memref<!tpu.dma_semaphore, #tpu.memory_space<semaphore_mem>>)
      %dma_wait3A_56 = tpu.memref_slice %arg3[%mul3A_2] : memref<819200xi32, #tpu.memory_space<hbm>> -> memref<25600xi32, #tpu.memory_space<hbm>>
      %dma_wait3A_57 = tpu.memref_slice %arg3[%mul3A_2] : memref<819200xi32, #tpu.memory_space<hbm>> -> memref<25600xi32, #tpu.memory_space<hbm>>
      tpu.wait_dma2 semaphore(%run_scoped3A : memref<!tpu.dma_semaphore, #tpu.memory_space<semaphore_mem>>) src(%dma_wait3A_57 : memref<25600xi32, #tpu.memory_space<hbm>>) dst(%arg5 : memref<25600xi32, #tpu.memory_space<vmem>>)
      tpu.yield
    }) : () -> ()
    %dma_start3A = arith.constant 0 : i32
    %dma_start3A_3 = tpu.memref_slice %arg5[%dma_start3A] : memref<25600xi32, #tpu.memory_space<vmem>> -> memref<400xi32, #tpu.memory_space<vmem>>
    %dma_start3A_4 = arith.constant 0 : i32
    %dma_start3A_5 = arith.constant 0 : i32
    %dma_start3A_6 = tpu.memref_slice %arg2[%dma_start3A_4, %dma_start3A_5] : memref<100000x64xf32, #tpu.memory_space<hbm>> -> memref<100000x64xf32, #tpu.memory_space<hbm>>
    tpu.enqueue_indirect_dma source(%dma_start3A_6 : memref<100000x64xf32, #tpu.memory_space<hbm>>) target(%arg6 : memref<400x64xf32, #tpu.memory_space<vmem>>) offsets(%dma_start3A_3 : memref<400xi32, #tpu.memory_space<vmem>>) semaphore(%arg10 : memref<!tpu.dma_semaphore, #tpu.memory_space<semaphore_mem>>)
    %dma_start3A_7 = arith.constant 400 : i32
    %dma_start3A_8 = tpu.memref_slice %arg5[%dma_start3A_7] : memref<25600xi32, #tpu.memory_space<vmem>> -> memref<400xi32, #tpu.memory_space<vmem>>
    %dma_start3A_9 = arith.constant 0 : i32
    %dma_start3A_10 = arith.constant 0 : i32
    %dma_start3A_11 = tpu.memref_slice %arg2[%dma_start3A_9, %dma_start3A_10] : memref<100000x64xf32, #tpu.memory_space<hbm>> -> memref<100000x64xf32, #tpu.memory_space<hbm>>
    tpu.enqueue_indirect_dma source(%dma_start3A_11 : memref<100000x64xf32, #tpu.memory_space<hbm>>) target(%arg7 : memref<400x64xf32, #tpu.memory_space<vmem>>) offsets(%dma_start3A_8 : memref<400xi32, #tpu.memory_space<vmem>>) semaphore(%arg11 : memref<!tpu.dma_semaphore, #tpu.memory_space<semaphore_mem>>)
    %dma_start3A_12 = arith.constant 800 : i32
    %dma_start3A_13 = tpu.memref_slice %arg5[%dma_start3A_12] : memref<25600xi32, #tpu.memory_space<vmem>> -> memref<400xi32, #tpu.memory_space<vmem>>
    %dma_start3A_14 = arith.constant 0 : i32
    %dma_start3A_15 = arith.constant 0 : i32
    %dma_start3A_16 = tpu.memref_slice %arg2[%dma_start3A_14, %dma_start3A_15] : memref<100000x64xf32, #tpu.memory_space<hbm>> -> memref<100000x64xf32, #tpu.memory_space<hbm>>
    tpu.enqueue_indirect_dma source(%dma_start3A_16 : memref<100000x64xf32, #tpu.memory_space<hbm>>) target(%arg8 : memref<400x64xf32, #tpu.memory_space<vmem>>) offsets(%dma_start3A_13 : memref<400xi32, #tpu.memory_space<vmem>>) semaphore(%arg12 : memref<!tpu.dma_semaphore, #tpu.memory_space<semaphore_mem>>)
    %dma_start3A_17 = arith.constant 1200 : i32
    %dma_start3A_18 = tpu.memref_slice %arg5[%dma_start3A_17] : memref<25600xi32, #tpu.memory_space<vmem>> -> memref<400xi32, #tpu.memory_space<vmem>>
    %dma_start3A_19 = arith.constant 0 : i32
    %dma_start3A_20 = arith.constant 0 : i32
    %dma_start3A_21 = tpu.memref_slice %arg2[%dma_start3A_19, %dma_start3A_20] : memref<100000x64xf32, #tpu.memory_space<hbm>> -> memref<100000x64xf32, #tpu.memory_space<hbm>>
    tpu.enqueue_indirect_dma source(%dma_start3A_21 : memref<100000x64xf32, #tpu.memory_space<hbm>>) target(%arg9 : memref<400x64xf32, #tpu.memory_space<vmem>>) offsets(%dma_start3A_18 : memref<400xi32, #tpu.memory_space<vmem>>) semaphore(%arg13 : memref<!tpu.dma_semaphore, #tpu.memory_space<semaphore_mem>>)
    %scan3A = arith.constant 0 : i32
    %scan3A_22 = arith.constant 0 : i32
    %scan3A_23 = arith.constant 15 : i32
    %scan3A_24 = arith.addi %scan3A_22, %scan3A_23 : i32
    %scan3A_25 = arith.constant 1 : i32
    scf.for %scan3A_54 = %scan3A_22 to %scan3A_24 step %scan3A_25  : i32 {
      %mul3A_55 = arith.constant 4 : i32
      %mul3A_56 = arith.muli %scan3A_54, %mul3A_55 : i32
      %add3A_57 = arith.constant 0 : i32
      %add3A_58 = arith.addi %mul3A_56, %add3A_57 : i32
      %dma_wait3A_59 = arith.constant 0 : i32
      %dma_wait3A_60 = tpu.memref_slice %arg5[%dma_wait3A_59] : memref<25600xi32, #tpu.memory_space<vmem>> -> memref<400xi32, #tpu.memory_space<vmem>>
      %dma_wait3A_61 = arith.constant 0 : i32
      %dma_wait3A_62 = arith.constant 0 : i32
      %dma_wait3A_63 = tpu.memref_slice %arg2[%dma_wait3A_61, %dma_wait3A_62] : memref<100000x64xf32, #tpu.memory_space<hbm>> -> memref<100000x64xf32, #tpu.memory_space<hbm>>
      tpu.wait_indirect_dma semaphore(%arg10 : memref<!tpu.dma_semaphore, #tpu.memory_space<semaphore_mem>>) src(%dma_wait3A_63 : memref<100000x64xf32, #tpu.memory_space<hbm>>) dst(%arg6 : memref<400x64xf32, #tpu.memory_space<vmem>>)
      %mul3A_64 = arith.constant 400 : i32
      %mul3A_65 = arith.muli %add3A_58, %mul3A_64 : i32
      %add3A_66 = arith.addi %mul3A_2, %mul3A_65 : i32
      "tpu.region"() ({
        %run_scoped3A = tpu.sem_alloc : memref<!tpu.dma_semaphore, #tpu.memory_space<semaphore_mem>>
        %dma_start3A_135 = arith.constant 0 : i32
        %dma_start3A_136 = tpu.memref_slice %arg4[%add3A_66, %dma_start3A_135] : memref<819200x64xf32, #tpu.memory_space<hbm>> -> memref<400x64xf32, #tpu.memory_space<hbm>>
        %dma_start3A_137 = arith.constant 0 : i32
        %dma_start3A_138 = tpu.memref_slice %arg4[%add3A_66, %dma_start3A_137] : memref<819200x64xf32, #tpu.memory_space<hbm>> -> memref<400x64xf32, #tpu.memory_space<hbm>>
        tpu.enqueue_dma source(%arg6 : memref<400x64xf32, #tpu.memory_space<vmem>>) target(%dma_start3A_138 : memref<400x64xf32, #tpu.memory_space<hbm>>) target_semaphore(%run_scoped3A : memref<!tpu.dma_semaphore, #tpu.memory_space<semaphore_mem>>)
        %dma_wait3A_139 = arith.constant 0 : i32
        %dma_wait3A_140 = tpu.memref_slice %arg4[%add3A_66, %dma_wait3A_139] : memref<819200x64xf32, #tpu.memory_space<hbm>> -> memref<400x64xf32, #tpu.memory_space<hbm>>
        %dma_wait3A_141 = arith.constant 0 : i32
        %dma_wait3A_142 = tpu.memref_slice %arg4[%add3A_66, %dma_wait3A_141] : memref<819200x64xf32, #tpu.memory_space<hbm>> -> memref<400x64xf32, #tpu.memory_space<hbm>>
        tpu.wait_dma2 semaphore(%run_scoped3A : memref<!tpu.dma_semaphore, #tpu.memory_space<semaphore_mem>>) src(%arg6 : memref<400x64xf32, #tpu.memory_space<vmem>>) dst(%dma_wait3A_142 : memref<400x64xf32, #tpu.memory_space<hbm>>)
        tpu.yield
      }) : () -> ()
      %add3A_67 = arith.constant 4 : i32
      %add3A_68 = arith.addi %add3A_58, %add3A_67 : i32
      %mul3A_69 = arith.constant 400 : i32
      %mul3A_70 = arith.muli %add3A_68, %mul3A_69 : i32
      %dma_start3A_71 = tpu.memref_slice %arg5[%mul3A_70] : memref<25600xi32, #tpu.memory_space<vmem>> -> memref<400xi32, #tpu.memory_space<vmem>>
      %dma_start3A_72 = arith.constant 0 : i32
      %dma_start3A_73 = arith.constant 0 : i32
      %dma_start3A_74 = tpu.memref_slice %arg2[%dma_start3A_72, %dma_start3A_73] : memref<100000x64xf32, #tpu.memory_space<hbm>> -> memref<100000x64xf32, #tpu.memory_space<hbm>>
      tpu.enqueue_indirect_dma source(%dma_start3A_74 : memref<100000x64xf32, #tpu.memory_space<hbm>>) target(%arg6 : memref<400x64xf32, #tpu.memory_space<vmem>>) offsets(%dma_start3A_71 : memref<400xi32, #tpu.memory_space<vmem>>) semaphore(%arg10 : memref<!tpu.dma_semaphore, #tpu.memory_space<semaphore_mem>>)
      %mul3A_75 = arith.constant 4 : i32
      %mul3A_76 = arith.muli %scan3A_54, %mul3A_75 : i32
      %add3A_77 = arith.constant 1 : i32
      %add3A_78 = arith.addi %mul3A_76, %add3A_77 : i32
      %dma_wait3A_79 = arith.constant 0 : i32
      %dma_wait3A_80 = tpu.memref_slice %arg5[%dma_wait3A_79] : memref<25600xi32, #tpu.memory_space<vmem>> -> memref<400xi32, #tpu.memory_space<vmem>>
      %dma_wait3A_81 = arith.constant 0 : i32
      %dma_wait3A_82 = arith.constant 0 : i32
      %dma_wait3A_83 = tpu.memref_slice %arg2[%dma_wait3A_81, %dma_wait3A_82] : memref<100000x64xf32, #tpu.memory_space<hbm>> -> memref<100000x64xf32, #tpu.memory_space<hbm>>
      tpu.wait_indirect_dma semaphore(%arg11 : memref<!tpu.dma_semaphore, #tpu.memory_space<semaphore_mem>>) src(%dma_wait3A_83 : memref<100000x64xf32, #tpu.memory_space<hbm>>) dst(%arg7 : memref<400x64xf32, #tpu.memory_space<vmem>>)
      %mul3A_84 = arith.constant 400 : i32
      %mul3A_85 = arith.muli %add3A_78, %mul3A_84 : i32
      %add3A_86 = arith.addi %mul3A_2, %mul3A_85 : i32
      "tpu.region"() ({
        %run_scoped3A = tpu.sem_alloc : memref<!tpu.dma_semaphore, #tpu.memory_space<semaphore_mem>>
        %dma_start3A_135 = arith.constant 0 : i32
        %dma_start3A_136 = tpu.memref_slice %arg4[%add3A_86, %dma_start3A_135] : memref<819200x64xf32, #tpu.memory_space<hbm>> -> memref<400x64xf32, #tpu.memory_space<hbm>>
        %dma_start3A_137 = arith.constant 0 : i32
        %dma_start3A_138 = tpu.memref_slice %arg4[%add3A_86, %dma_start3A_137] : memref<819200x64xf32, #tpu.memory_space<hbm>> -> memref<400x64xf32, #tpu.memory_space<hbm>>
        tpu.enqueue_dma source(%arg7 : memref<400x64xf32, #tpu.memory_space<vmem>>) target(%dma_start3A_138 : memref<400x64xf32, #tpu.memory_space<hbm>>) target_semaphore(%run_scoped3A : memref<!tpu.dma_semaphore, #tpu.memory_space<semaphore_mem>>)
        %dma_wait3A_139 = arith.constant 0 : i32
        %dma_wait3A_140 = tpu.memref_slice %arg4[%add3A_86, %dma_wait3A_139] : memref<819200x64xf32, #tpu.memory_space<hbm>> -> memref<400x64xf32, #tpu.memory_space<hbm>>
        %dma_wait3A_141 = arith.constant 0 : i32
        %dma_wait3A_142 = tpu.memref_slice %arg4[%add3A_86, %dma_wait3A_141] : memref<819200x64xf32, #tpu.memory_space<hbm>> -> memref<400x64xf32, #tpu.memory_space<hbm>>
        tpu.wait_dma2 semaphore(%run_scoped3A : memref<!tpu.dma_semaphore, #tpu.memory_space<semaphore_mem>>) src(%arg7 : memref<400x64xf32, #tpu.memory_space<vmem>>) dst(%dma_wait3A_142 : memref<400x64xf32, #tpu.memory_space<hbm>>)
        tpu.yield
      }) : () -> ()
      %add3A_87 = arith.constant 4 : i32
      %add3A_88 = arith.addi %add3A_78, %add3A_87 : i32
      %mul3A_89 = arith.constant 400 : i32
      %mul3A_90 = arith.muli %add3A_88, %mul3A_89 : i32
      %dma_start3A_91 = tpu.memref_slice %arg5[%mul3A_90] : memref<25600xi32, #tpu.memory_space<vmem>> -> memref<400xi32, #tpu.memory_space<vmem>>
      %dma_start3A_92 = arith.constant 0 : i32
      %dma_start3A_93 = arith.constant 0 : i32
      %dma_start3A_94 = tpu.memref_slice %arg2[%dma_start3A_92, %dma_start3A_93] : memref<100000x64xf32, #tpu.memory_space<hbm>> -> memref<100000x64xf32, #tpu.memory_space<hbm>>
      tpu.enqueue_indirect_dma source(%dma_start3A_94 : memref<100000x64xf32, #tpu.memory_space<hbm>>) target(%arg7 : memref<400x64xf32, #tpu.memory_space<vmem>>) offsets(%dma_start3A_91 : memref<400xi32, #tpu.memory_space<vmem>>) semaphore(%arg11 : memref<!tpu.dma_semaphore, #tpu.memory_space<semaphore_mem>>)
      %mul3A_95 = arith.constant 4 : i32
      %mul3A_96 = arith.muli %scan3A_54, %mul3A_95 : i32
      %add3A_97 = arith.constant 2 : i32
      %add3A_98 = arith.addi %mul3A_96, %add3A_97 : i32
      %dma_wait3A_99 = arith.constant 0 : i32
      %dma_wait3A_100 = tpu.memref_slice %arg5[%dma_wait3A_99] : memref<25600xi32, #tpu.memory_space<vmem>> -> memref<400xi32, #tpu.memory_space<vmem>>
      %dma_wait3A_101 = arith.constant 0 : i32
      %dma_wait3A_102 = arith.constant 0 : i32
      %dma_wait3A_103 = tpu.memref_slice %arg2[%dma_wait3A_101, %dma_wait3A_102] : memref<100000x64xf32, #tpu.memory_space<hbm>> -> memref<100000x64xf32, #tpu.memory_space<hbm>>
      tpu.wait_indirect_dma semaphore(%arg12 : memref<!tpu.dma_semaphore, #tpu.memory_space<semaphore_mem>>) src(%dma_wait3A_103 : memref<100000x64xf32, #tpu.memory_space<hbm>>) dst(%arg8 : memref<400x64xf32, #tpu.memory_space<vmem>>)
      %mul3A_104 = arith.constant 400 : i32
      %mul3A_105 = arith.muli %add3A_98, %mul3A_104 : i32
      %add3A_106 = arith.addi %mul3A_2, %mul3A_105 : i32
      "tpu.region"() ({
        %run_scoped3A = tpu.sem_alloc : memref<!tpu.dma_semaphore, #tpu.memory_space<semaphore_mem>>
        %dma_start3A_135 = arith.constant 0 : i32
        %dma_start3A_136 = tpu.memref_slice %arg4[%add3A_106, %dma_start3A_135] : memref<819200x64xf32, #tpu.memory_space<hbm>> -> memref<400x64xf32, #tpu.memory_space<hbm>>
        %dma_start3A_137 = arith.constant 0 : i32
        %dma_start3A_138 = tpu.memref_slice %arg4[%add3A_106, %dma_start3A_137] : memref<819200x64xf32, #tpu.memory_space<hbm>> -> memref<400x64xf32, #tpu.memory_space<hbm>>
        tpu.enqueue_dma source(%arg8 : memref<400x64xf32, #tpu.memory_space<vmem>>) target(%dma_start3A_138 : memref<400x64xf32, #tpu.memory_space<hbm>>) target_semaphore(%run_scoped3A : memref<!tpu.dma_semaphore, #tpu.memory_space<semaphore_mem>>)
        %dma_wait3A_139 = arith.constant 0 : i32
        %dma_wait3A_140 = tpu.memref_slice %arg4[%add3A_106, %dma_wait3A_139] : memref<819200x64xf32, #tpu.memory_space<hbm>> -> memref<400x64xf32, #tpu.memory_space<hbm>>
        %dma_wait3A_141 = arith.constant 0 : i32
        %dma_wait3A_142 = tpu.memref_slice %arg4[%add3A_106, %dma_wait3A_141] : memref<819200x64xf32, #tpu.memory_space<hbm>> -> memref<400x64xf32, #tpu.memory_space<hbm>>
        tpu.wait_dma2 semaphore(%run_scoped3A : memref<!tpu.dma_semaphore, #tpu.memory_space<semaphore_mem>>) src(%arg8 : memref<400x64xf32, #tpu.memory_space<vmem>>) dst(%dma_wait3A_142 : memref<400x64xf32, #tpu.memory_space<hbm>>)
        tpu.yield
      }) : () -> ()
      %add3A_107 = arith.constant 4 : i32
      %add3A_108 = arith.addi %add3A_98, %add3A_107 : i32
      %mul3A_109 = arith.constant 400 : i32
      %mul3A_110 = arith.muli %add3A_108, %mul3A_109 : i32
      %dma_start3A_111 = tpu.memref_slice %arg5[%mul3A_110] : memref<25600xi32, #tpu.memory_space<vmem>> -> memref<400xi32, #tpu.memory_space<vmem>>
      %dma_start3A_112 = arith.constant 0 : i32
      %dma_start3A_113 = arith.constant 0 : i32
      %dma_start3A_114 = tpu.memref_slice %arg2[%dma_start3A_112, %dma_start3A_113] : memref<100000x64xf32, #tpu.memory_space<hbm>> -> memref<100000x64xf32, #tpu.memory_space<hbm>>
      tpu.enqueue_indirect_dma source(%dma_start3A_114 : memref<100000x64xf32, #tpu.memory_space<hbm>>) target(%arg8 : memref<400x64xf32, #tpu.memory_space<vmem>>) offsets(%dma_start3A_111 : memref<400xi32, #tpu.memory_space<vmem>>) semaphore(%arg12 : memref<!tpu.dma_semaphore, #tpu.memory_space<semaphore_mem>>)
      %mul3A_115 = arith.constant 4 : i32
      %mul3A_116 = arith.muli %scan3A_54, %mul3A_115 : i32
      %add3A_117 = arith.constant 3 : i32
      %add3A_118 = arith.addi %mul3A_116, %add3A_117 : i32
      %dma_wait3A_119 = arith.constant 0 : i32
      %dma_wait3A_120 = tpu.memref_slice %arg5[%dma_wait3A_119] : memref<25600xi32, #tpu.memory_space<vmem>> -> memref<400xi32, #tpu.memory_space<vmem>>
      %dma_wait3A_121 = arith.constant 0 : i32
      %dma_wait3A_122 = arith.constant 0 : i32
      %dma_wait3A_123 = tpu.memref_slice %arg2[%dma_wait3A_121, %dma_wait3A_122] : memref<100000x64xf32, #tpu.memory_space<hbm>> -> memref<100000x64xf32, #tpu.memory_space<hbm>>
      tpu.wait_indirect_dma semaphore(%arg13 : memref<!tpu.dma_semaphore, #tpu.memory_space<semaphore_mem>>) src(%dma_wait3A_123 : memref<100000x64xf32, #tpu.memory_space<hbm>>) dst(%arg9 : memref<400x64xf32, #tpu.memory_space<vmem>>)
      %mul3A_124 = arith.constant 400 : i32
      %mul3A_125 = arith.muli %add3A_118, %mul3A_124 : i32
      %add3A_126 = arith.addi %mul3A_2, %mul3A_125 : i32
      "tpu.region"() ({
        %run_scoped3A = tpu.sem_alloc : memref<!tpu.dma_semaphore, #tpu.memory_space<semaphore_mem>>
        %dma_start3A_135 = arith.constant 0 : i32
        %dma_start3A_136 = tpu.memref_slice %arg4[%add3A_126, %dma_start3A_135] : memref<819200x64xf32, #tpu.memory_space<hbm>> -> memref<400x64xf32, #tpu.memory_space<hbm>>
        %dma_start3A_137 = arith.constant 0 : i32
        %dma_start3A_138 = tpu.memref_slice %arg4[%add3A_126, %dma_start3A_137] : memref<819200x64xf32, #tpu.memory_space<hbm>> -> memref<400x64xf32, #tpu.memory_space<hbm>>
        tpu.enqueue_dma source(%arg9 : memref<400x64xf32, #tpu.memory_space<vmem>>) target(%dma_start3A_138 : memref<400x64xf32, #tpu.memory_space<hbm>>) target_semaphore(%run_scoped3A : memref<!tpu.dma_semaphore, #tpu.memory_space<semaphore_mem>>)
        %dma_wait3A_139 = arith.constant 0 : i32
        %dma_wait3A_140 = tpu.memref_slice %arg4[%add3A_126, %dma_wait3A_139] : memref<819200x64xf32, #tpu.memory_space<hbm>> -> memref<400x64xf32, #tpu.memory_space<hbm>>
        %dma_wait3A_141 = arith.constant 0 : i32
        %dma_wait3A_142 = tpu.memref_slice %arg4[%add3A_126, %dma_wait3A_141] : memref<819200x64xf32, #tpu.memory_space<hbm>> -> memref<400x64xf32, #tpu.memory_space<hbm>>
        tpu.wait_dma2 semaphore(%run_scoped3A : memref<!tpu.dma_semaphore, #tpu.memory_space<semaphore_mem>>) src(%arg9 : memref<400x64xf32, #tpu.memory_space<vmem>>) dst(%dma_wait3A_142 : memref<400x64xf32, #tpu.memory_space<hbm>>)
        tpu.yield
      }) : () -> ()
      %add3A_127 = arith.constant 4 : i32
      %add3A_128 = arith.addi %add3A_118, %add3A_127 : i32
      %mul3A_129 = arith.constant 400 : i32
      %mul3A_130 = arith.muli %add3A_128, %mul3A_129 : i32
      %dma_start3A_131 = tpu.memref_slice %arg5[%mul3A_130] : memref<25600xi32, #tpu.memory_space<vmem>> -> memref<400xi32, #tpu.memory_space<vmem>>
      %dma_start3A_132 = arith.constant 0 : i32
      %dma_start3A_133 = arith.constant 0 : i32
      %dma_start3A_134 = tpu.memref_slice %arg2[%dma_start3A_132, %dma_start3A_133] : memref<100000x64xf32, #tpu.memory_space<hbm>> -> memref<100000x64xf32, #tpu.memory_space<hbm>>
      tpu.enqueue_indirect_dma source(%dma_start3A_134 : memref<100000x64xf32, #tpu.memory_space<hbm>>) target(%arg9 : memref<400x64xf32, #tpu.memory_space<vmem>>) offsets(%dma_start3A_131 : memref<400xi32, #tpu.memory_space<vmem>>) semaphore(%arg13 : memref<!tpu.dma_semaphore, #tpu.memory_space<semaphore_mem>>)
    }
    %scan3A_26 = arith.constant 15 : i32
    %dma_wait3A = arith.constant 0 : i32
    %dma_wait3A_27 = tpu.memref_slice %arg5[%dma_wait3A] : memref<25600xi32, #tpu.memory_space<vmem>> -> memref<400xi32, #tpu.memory_space<vmem>>
    %dma_wait3A_28 = arith.constant 0 : i32
    %dma_wait3A_29 = arith.constant 0 : i32
    %dma_wait3A_30 = tpu.memref_slice %arg2[%dma_wait3A_28, %dma_wait3A_29] : memref<100000x64xf32, #tpu.memory_space<hbm>> -> memref<100000x64xf32, #tpu.memory_space<hbm>>
    tpu.wait_indirect_dma semaphore(%arg10 : memref<!tpu.dma_semaphore, #tpu.memory_space<semaphore_mem>>) src(%dma_wait3A_30 : memref<100000x64xf32, #tpu.memory_space<hbm>>) dst(%arg6 : memref<400x64xf32, #tpu.memory_space<vmem>>)
    %add3A_31 = arith.constant 24000 : i32
    %add3A_32 = arith.addi %mul3A_2, %add3A_31 : i32
    "tpu.region"() ({
      %run_scoped3A = tpu.sem_alloc : memref<!tpu.dma_semaphore, #tpu.memory_space<semaphore_mem>>
      %dma_start3A_54 = arith.constant 0 : i32
      %dma_start3A_55 = tpu.memref_slice %arg4[%add3A_32, %dma_start3A_54] : memref<819200x64xf32, #tpu.memory_space<hbm>> -> memref<400x64xf32, #tpu.memory_space<hbm>>
      %dma_start3A_56 = arith.constant 0 : i32
      %dma_start3A_57 = tpu.memref_slice %arg4[%add3A_32, %dma_start3A_56] : memref<819200x64xf32, #tpu.memory_space<hbm>> -> memref<400x64xf32, #tpu.memory_space<hbm>>
      tpu.enqueue_dma source(%arg6 : memref<400x64xf32, #tpu.memory_space<vmem>>) target(%dma_start3A_57 : memref<400x64xf32, #tpu.memory_space<hbm>>) target_semaphore(%run_scoped3A : memref<!tpu.dma_semaphore, #tpu.memory_space<semaphore_mem>>)
      %dma_wait3A_58 = arith.constant 0 : i32
      %dma_wait3A_59 = tpu.memref_slice %arg4[%add3A_32, %dma_wait3A_58] : memref<819200x64xf32, #tpu.memory_space<hbm>> -> memref<400x64xf32, #tpu.memory_space<hbm>>
      %dma_wait3A_60 = arith.constant 0 : i32
      %dma_wait3A_61 = tpu.memref_slice %arg4[%add3A_32, %dma_wait3A_60] : memref<819200x64xf32, #tpu.memory_space<hbm>> -> memref<400x64xf32, #tpu.memory_space<hbm>>
      tpu.wait_dma2 semaphore(%run_scoped3A : memref<!tpu.dma_semaphore, #tpu.memory_space<semaphore_mem>>) src(%arg6 : memref<400x64xf32, #tpu.memory_space<vmem>>) dst(%dma_wait3A_61 : memref<400x64xf32, #tpu.memory_space<hbm>>)
      tpu.yield
    }) : () -> ()
    %dma_wait3A_33 = arith.constant 0 : i32
    %dma_wait3A_34 = tpu.memref_slice %arg5[%dma_wait3A_33] : memref<25600xi32, #tpu.memory_space<vmem>> -> memref<400xi32, #tpu.memory_space<vmem>>
    %dma_wait3A_35 = arith.constant 0 : i32
    %dma_wait3A_36 = arith.constant 0 : i32
    %dma_wait3A_37 = tpu.memref_slice %arg2[%dma_wait3A_35, %dma_wait3A_36] : memref<100000x64xf32, #tpu.memory_space<hbm>> -> memref<100000x64xf32, #tpu.memory_space<hbm>>
    tpu.wait_indirect_dma semaphore(%arg11 : memref<!tpu.dma_semaphore, #tpu.memory_space<semaphore_mem>>) src(%dma_wait3A_37 : memref<100000x64xf32, #tpu.memory_space<hbm>>) dst(%arg7 : memref<400x64xf32, #tpu.memory_space<vmem>>)
    %add3A_38 = arith.constant 24400 : i32
    %add3A_39 = arith.addi %mul3A_2, %add3A_38 : i32
    "tpu.region"() ({
      %run_scoped3A = tpu.sem_alloc : memref<!tpu.dma_semaphore, #tpu.memory_space<semaphore_mem>>
      %dma_start3A_54 = arith.constant 0 : i32
      %dma_start3A_55 = tpu.memref_slice %arg4[%add3A_39, %dma_start3A_54] : memref<819200x64xf32, #tpu.memory_space<hbm>> -> memref<400x64xf32, #tpu.memory_space<hbm>>
      %dma_start3A_56 = arith.constant 0 : i32
      %dma_start3A_57 = tpu.memref_slice %arg4[%add3A_39, %dma_start3A_56] : memref<819200x64xf32, #tpu.memory_space<hbm>> -> memref<400x64xf32, #tpu.memory_space<hbm>>
      tpu.enqueue_dma source(%arg7 : memref<400x64xf32, #tpu.memory_space<vmem>>) target(%dma_start3A_57 : memref<400x64xf32, #tpu.memory_space<hbm>>) target_semaphore(%run_scoped3A : memref<!tpu.dma_semaphore, #tpu.memory_space<semaphore_mem>>)
      %dma_wait3A_58 = arith.constant 0 : i32
      %dma_wait3A_59 = tpu.memref_slice %arg4[%add3A_39, %dma_wait3A_58] : memref<819200x64xf32, #tpu.memory_space<hbm>> -> memref<400x64xf32, #tpu.memory_space<hbm>>
      %dma_wait3A_60 = arith.constant 0 : i32
      %dma_wait3A_61 = tpu.memref_slice %arg4[%add3A_39, %dma_wait3A_60] : memref<819200x64xf32, #tpu.memory_space<hbm>> -> memref<400x64xf32, #tpu.memory_space<hbm>>
      tpu.wait_dma2 semaphore(%run_scoped3A : memref<!tpu.dma_semaphore, #tpu.memory_space<semaphore_mem>>) src(%arg7 : memref<400x64xf32, #tpu.memory_space<vmem>>) dst(%dma_wait3A_61 : memref<400x64xf32, #tpu.memory_space<hbm>>)
      tpu.yield
    }) : () -> ()
    %dma_wait3A_40 = arith.constant 0 : i32
    %dma_wait3A_41 = tpu.memref_slice %arg5[%dma_wait3A_40] : memref<25600xi32, #tpu.memory_space<vmem>> -> memref<400xi32, #tpu.memory_space<vmem>>
    %dma_wait3A_42 = arith.constant 0 : i32
    %dma_wait3A_43 = arith.constant 0 : i32
    %dma_wait3A_44 = tpu.memref_slice %arg2[%dma_wait3A_42, %dma_wait3A_43] : memref<100000x64xf32, #tpu.memory_space<hbm>> -> memref<100000x64xf32, #tpu.memory_space<hbm>>
    tpu.wait_indirect_dma semaphore(%arg12 : memref<!tpu.dma_semaphore, #tpu.memory_space<semaphore_mem>>) src(%dma_wait3A_44 : memref<100000x64xf32, #tpu.memory_space<hbm>>) dst(%arg8 : memref<400x64xf32, #tpu.memory_space<vmem>>)
    %add3A_45 = arith.constant 24800 : i32
    %add3A_46 = arith.addi %mul3A_2, %add3A_45 : i32
    "tpu.region"() ({
      %run_scoped3A = tpu.sem_alloc : memref<!tpu.dma_semaphore, #tpu.memory_space<semaphore_mem>>
      %dma_start3A_54 = arith.constant 0 : i32
      %dma_start3A_55 = tpu.memref_slice %arg4[%add3A_46, %dma_start3A_54] : memref<819200x64xf32, #tpu.memory_space<hbm>> -> memref<400x64xf32, #tpu.memory_space<hbm>>
      %dma_start3A_56 = arith.constant 0 : i32
      %dma_start3A_57 = tpu.memref_slice %arg4[%add3A_46, %dma_start3A_56] : memref<819200x64xf32, #tpu.memory_space<hbm>> -> memref<400x64xf32, #tpu.memory_space<hbm>>
      tpu.enqueue_dma source(%arg8 : memref<400x64xf32, #tpu.memory_space<vmem>>) target(%dma_start3A_57 : memref<400x64xf32, #tpu.memory_space<hbm>>) target_semaphore(%run_scoped3A : memref<!tpu.dma_semaphore, #tpu.memory_space<semaphore_mem>>)
      %dma_wait3A_58 = arith.constant 0 : i32
      %dma_wait3A_59 = tpu.memref_slice %arg4[%add3A_46, %dma_wait3A_58] : memref<819200x64xf32, #tpu.memory_space<hbm>> -> memref<400x64xf32, #tpu.memory_space<hbm>>
      %dma_wait3A_60 = arith.constant 0 : i32
      %dma_wait3A_61 = tpu.memref_slice %arg4[%add3A_46, %dma_wait3A_60] : memref<819200x64xf32, #tpu.memory_space<hbm>> -> memref<400x64xf32, #tpu.memory_space<hbm>>
      tpu.wait_dma2 semaphore(%run_scoped3A : memref<!tpu.dma_semaphore, #tpu.memory_space<semaphore_mem>>) src(%arg8 : memref<400x64xf32, #tpu.memory_space<vmem>>) dst(%dma_wait3A_61 : memref<400x64xf32, #tpu.memory_space<hbm>>)
      tpu.yield
    }) : () -> ()
    %dma_wait3A_47 = arith.constant 0 : i32
    %dma_wait3A_48 = tpu.memref_slice %arg5[%dma_wait3A_47] : memref<25600xi32, #tpu.memory_space<vmem>> -> memref<400xi32, #tpu.memory_space<vmem>>
    %dma_wait3A_49 = arith.constant 0 : i32
    %dma_wait3A_50 = arith.constant 0 : i32
    %dma_wait3A_51 = tpu.memref_slice %arg2[%dma_wait3A_49, %dma_wait3A_50] : memref<100000x64xf32, #tpu.memory_space<hbm>> -> memref<100000x64xf32, #tpu.memory_space<hbm>>
    tpu.wait_indirect_dma semaphore(%arg13 : memref<!tpu.dma_semaphore, #tpu.memory_space<semaphore_mem>>) src(%dma_wait3A_51 : memref<100000x64xf32, #tpu.memory_space<hbm>>) dst(%arg9 : memref<400x64xf32, #tpu.memory_space<vmem>>)
    %add3A_52 = arith.constant 25200 : i32
    %add3A_53 = arith.addi %mul3A_2, %add3A_52 : i32
    "tpu.region"() ({
      %run_scoped3A = tpu.sem_alloc : memref<!tpu.dma_semaphore, #tpu.memory_space<semaphore_mem>>
      %dma_start3A_54 = arith.constant 0 : i32
      %dma_start3A_55 = tpu.memref_slice %arg4[%add3A_53, %dma_start3A_54] : memref<819200x64xf32, #tpu.memory_space<hbm>> -> memref<400x64xf32, #tpu.memory_space<hbm>>
      %dma_start3A_56 = arith.constant 0 : i32
      %dma_start3A_57 = tpu.memref_slice %arg4[%add3A_53, %dma_start3A_56] : memref<819200x64xf32, #tpu.memory_space<hbm>> -> memref<400x64xf32, #tpu.memory_space<hbm>>
      tpu.enqueue_dma source(%arg9 : memref<400x64xf32, #tpu.memory_space<vmem>>) target(%dma_start3A_57 : memref<400x64xf32, #tpu.memory_space<hbm>>) target_semaphore(%run_scoped3A : memref<!tpu.dma_semaphore, #tpu.memory_space<semaphore_mem>>)
      %dma_wait3A_58 = arith.constant 0 : i32
      %dma_wait3A_59 = tpu.memref_slice %arg4[%add3A_53, %dma_wait3A_58] : memref<819200x64xf32, #tpu.memory_space<hbm>> -> memref<400x64xf32, #tpu.memory_space<hbm>>
      %dma_wait3A_60 = arith.constant 0 : i32
      %dma_wait3A_61 = tpu.memref_slice %arg4[%add3A_53, %dma_wait3A_60] : memref<819200x64xf32, #tpu.memory_space<hbm>> -> memref<400x64xf32, #tpu.memory_space<hbm>>
      tpu.wait_dma2 semaphore(%run_scoped3A : memref<!tpu.dma_semaphore, #tpu.memory_space<semaphore_mem>>) src(%arg9 : memref<400x64xf32, #tpu.memory_space<vmem>>) dst(%dma_wait3A_61 : memref<400x64xf32, #tpu.memory_space<hbm>>)
      tpu.yield
    }) : () -> ()
    return
  }
}

module attributes {stable_mosaic.version = 14 : i64} {
  func.func @_head_body(%arg0: i32, %arg1: memref<1x2048xi32, #tpu.memory_space<vmem>>, %arg2: memref<512x64xf32, #tpu.memory_space<vmem>>, %arg3: memref<512x64xf32, #tpu.memory_space<vmem>>, %arg4: memref<64x64xf32, #tpu.memory_space<vmem>>, %arg5: memref<1x64xf32, #tpu.memory_space<vmem>>, %arg6: memref<512x64xf32, #tpu.memory_space<vmem>>) attributes {dimension_semantics = [#tpu.dimension_semantics<arbitrary>], iteration_bounds = array<i64: 8>, scalar_prefetch = 0 : i64, scratch_operands = 0 : i64, tpu.core_type = #tpu.core_type<tc>, window_params = [{pipeline_mode = #tpu.pipeline_mode<synchronous>, transform_indices = @transform_0, window_bounds = array<i64: 1, 2048>}, {transform_indices = @transform_1, window_bounds = array<i64: 512, 64>}, {transform_indices = @transform_2, window_bounds = array<i64: 512, 64>}, {pipeline_mode = #tpu.pipeline_mode<synchronous>, transform_indices = @transform_3, window_bounds = array<i64: 64, 64>}, {pipeline_mode = #tpu.pipeline_mode<synchronous>, transform_indices = @transform_4, window_bounds = array<i64: 1, 64>}, {transform_indices = @transform_5, window_bounds = array<i64: 512, 64>}]} {
    %mul3A = arith.constant 512 : i32
    %mul3A_0 = arith.muli %arg0, %mul3A : i32
    %iota3A = tpu.iota {dimensions = array<i32: 0>} : vector<512x1xi32>
    %add3A = vector.broadcast %mul3A_0 : i32 to vector<512x1xi32>
    %add3A_1 = arith.addi %add3A, %iota3A : vector<512x1xi32>
    %get3A = arith.constant 0 : index
    %get3A_2 = arith.constant 0 : index
    %get3A_3 = vector.load %arg1[%get3A, %get3A_2] : memref<1x2048xi32, #tpu.memory_space<vmem>>, vector<1x2048xi32>
    %eq3A = vector.broadcast %add3A_1 : vector<512x1xi32> to vector<512x2048xi32>
    %eq3A_4 = vector.broadcast %get3A_3 : vector<1x2048xi32> to vector<512x2048xi32>
    %eq3A_5 = arith.cmpi eq, %eq3A, %eq3A_4 : vector<512x2048xi32>
    %reduce_or3A = arith.constant 1.000000e+00 : f32
    %reduce_or3A_6 = arith.constant 0.000000e+00 : f32
    %reduce_or3A_7 = vector.broadcast %reduce_or3A : f32 to vector<512x2048xf32>
    %reduce_or3A_8 = vector.broadcast %reduce_or3A_6 : f32 to vector<512x2048xf32>
    %reduce_or3A_9 = arith.select %eq3A_5, %reduce_or3A_7, %reduce_or3A_8 : vector<512x2048xi1>, vector<512x2048xf32>
    %reduce_or3A_10 = arith.constant dense<0xFF800000> : vector<512xf32>
    %reduce_or3A_11 = vector.multi_reduction <maximumf>, %reduce_or3A_9, %reduce_or3A_10 [1] : vector<512x2048xf32> to vector<512xf32>
    %reduce_or3A_12 = arith.constant 0.000000e+00 : f32
    %reduce_or3A_13 = vector.broadcast %reduce_or3A_12 : f32 to vector<512xf32>
    %reduce_or3A_14 = arith.cmpf ogt, %reduce_or3A_11, %reduce_or3A_13 : vector<512xf32>
    %broadcast_in_dim3A = vector.shape_cast %reduce_or3A_14 : vector<512xi1> to vector<512x1xi1>
    %get3A_15 = arith.constant 0 : index
    %get3A_16 = arith.constant 0 : index
    %get3A_17 = vector.load %arg2[%get3A_15, %get3A_16] : memref<512x64xf32, #tpu.memory_space<vmem>>, vector<512x64xf32>
    %get3A_18 = arith.constant 0 : index
    %get3A_19 = arith.constant 0 : index
    %get3A_20 = vector.load %arg4[%get3A_18, %get3A_19] : memref<64x64xf32, #tpu.memory_space<vmem>>, vector<64x64xf32>
    %dot_general3A = arith.constant dense<0.000000e+00> : vector<512x64xf32>
    %dot_general3A_21 = tpu.matmul %get3A_17, %get3A_20, %dot_general3A {dimension_numbers = #tpu.dot_dimension_numbers<[1], [1], [0], [0], [0, 0, 1, 0], [], []>, transpose_lhs_hint = false} : vector<512x64xf32>, vector<64x64xf32>, vector<512x64xf32> -> vector<512x64xf32>
    %get3A_22 = arith.constant 0 : index
    %get3A_23 = arith.constant 0 : index
    %get3A_24 = vector.load %arg3[%get3A_22, %get3A_23] : memref<512x64xf32, #tpu.memory_space<vmem>>, vector<512x64xf32>
    %broadcast_in_dim3A_25 = vector.shape_cast %broadcast_in_dim3A : vector<512x1xi1> to vector<512x1xi1>
    %broadcast_in_dim3A_26 = vector.broadcast %broadcast_in_dim3A_25 : vector<512x1xi1> to vector<512x64xi1>
    %select_n3A = arith.select %broadcast_in_dim3A_26, %dot_general3A_21, %get3A_24 : vector<512x64xi1>, vector<512x64xf32>
    %get3A_27 = arith.constant 0 : index
    %get3A_28 = arith.constant 0 : index
    %get3A_29 = vector.load %arg5[%get3A_27, %get3A_28] : memref<1x64xf32, #tpu.memory_space<vmem>>, vector<1x64xf32>
    %add3A_30 = vector.broadcast %get3A_29 : vector<1x64xf32> to vector<512x64xf32>
    %add3A_31 = arith.addf %select_n3A, %add3A_30 : vector<512x64xf32>
    %swap3A = arith.constant 0 : index
    %swap3A_32 = arith.constant 0 : index
    %swap3A_33 = vector.load %arg6[%swap3A, %swap3A_32] : memref<512x64xf32, #tpu.memory_space<vmem>>, vector<512x64xf32>
    tpu.vector_store %arg6[%swap3A, %swap3A_32], %add3A_31 {strides = array<i32>} : memref<512x64xf32, #tpu.memory_space<vmem>>, vector<512x64xf32>,
    return
  }
  func.func @transform_0(%arg0: i32) -> (i32, i32) {
    %c0_i32 = arith.constant 0 : i32
    %c0_i32_0 = arith.constant 0 : i32
    %c0_i32_1 = arith.constant 0 : i32
    return %c0_i32, %c0_i32_0 : i32, i32
  }
  func.func @transform_1(%arg0: i32) -> (i32, i32) {
    %c0_i32 = arith.constant 0 : i32
    %c0_i32_0 = arith.constant 0 : i32
    return %arg0, %c0_i32 : i32, i32
  }
  func.func @transform_2(%arg0: i32) -> (i32, i32) {
    %c0_i32 = arith.constant 0 : i32
    %c0_i32_0 = arith.constant 0 : i32
    return %arg0, %c0_i32 : i32, i32
  }
  func.func @transform_3(%arg0: i32) -> (i32, i32) {
    %c0_i32 = arith.constant 0 : i32
    %c0_i32_0 = arith.constant 0 : i32
    %c0_i32_1 = arith.constant 0 : i32
    return %c0_i32, %c0_i32_0 : i32, i32
  }
  func.func @transform_4(%arg0: i32) -> (i32, i32) {
    %c0_i32 = arith.constant 0 : i32
    %c0_i32_0 = arith.constant 0 : i32
    %c0_i32_1 = arith.constant 0 : i32
    return %c0_i32, %c0_i32_0 : i32, i32
  }
  func.func @transform_5(%arg0: i32) -> (i32, i32) {
    %c0_i32 = arith.constant 0 : i32
    %c0_i32_0 = arith.constant 0 : i32
    return %arg0, %c0_i32 : i32, i32
  }
}

</mosaic_0001>

<sc_bundles>
// kernel: kernel.4.cloned.1.call-start
scs
__scs_entry_jumppad:
0x0: {  	(pc) =	sbr.rel $0x88, $3  }
0x1: {  	(tag) =	ssettag $0x0;
	lr =	simm.s32 $0x1  }
0x2: {  	[smem:$0x3F9B] =	sst lr;
	_ =	strace $0xD0000000  }
0x3: {  	_ = 	snop  }
0x4: {  	_ = 	snop  }
0x5: {  	_ = 	snop  }
0x6: {  	_ = 	snop  }
0x7: {  	_ = 	snop  }
__scs_overlays_trampoline_lowered:
0x8: {  	[smem:$0x3FAA] =	sst s0  }
0x9: {  	[smem:$0x3FAB] =	sst s1  }
0xa: {  	[smem:$0x3FAC] =	sst s2  }
0xb: {  	[smem:$0x3FAD] =	sst s3  }
0xc: {  	[smem:$0x3FAE] =	sst s4  }
0xd: {  	[smem:$0x3FAF] =	sst s5  }
0xe: {  	[smem:$0x3FB0] =	sst s6  }
0xf: {  	[smem:$0x3FB1] =	sst s7  }
0x10: {  	[smem:$0x3FB2] =	sst s8  }
0x11: {  	[smem:$0x3FB3] =	sst s9;
	s0 =	simm.s32 @!p0 $0x0  }
0x12: {  	s1 =	sld [smem:$0x3F99];
	s0 =	simm.s32 @p0 $0x1  }
0x13: {  	[smem:$0x3FB4] =	sst s0;
	s0 =	simm.s32 @!p1 $0x0  }
0x14: {  	s2 =	sld [smem:$0x3F98];
	s0 =	simm.s32 @p1 $0x1  }
0x15: {  	[smem:$0x3FB5] =	sst s0;
	s0 =	simm.s32 @!p2 $0x0  }
0x16: {  	s3 =	sld [smem:$0x3FDB];
	s0 =	simm.s32 @p2 $0x1  }
0x17: {  	s4 =	simm.s32 $0x1BF5;
	[smem:$0x3FB7] =	sst s0  }
0x18: {  	s0 =	sld [smem:$0x3F9A];
	_ =	swait.ge [sflag:s4], $0x0  }
0x19: {  	s7 =	sld [smem:$0x3F9B]  }
0x1a: {  	s8 =	sadd.s32 $0xFFFFE003, lr  }
0x1b: {  	s9 =	sadd.s32 $0xFFFFFEF7, lr;
	s5 =	simm.s32 $0xFFFFFFFF;
	p2 =	slt.u32 s8, $0xFFFFF086  }
0x1c: {  	p1 =	slt.u32 s9, $0xF7A;
	s5 =	simm.s32 @!p2 $0x0  }
0x1d: {  	s5 =	simm.s32 @p1 $0x1;
	p0 =	seq.s32 s7, s2  }
0x1e: {  	s7 =	smul.u32 @!p0 $0xF7A, s2;
	p2 =	seq.s32 @!p0 s5, $0x0  }
0x1f: {  	s9 =	smul.u32 $0xF7A, s1;
	s8 =	simm.s32 @!p0 $0x1BF5;
	p2 =	por !p2, p0  }
0x20: {  	[sflag:s8] =	ssyncset.s32 @!p0 $0xFFFFF086;
	s6 =	sadd.s32 @!p0 s3, s7;
	s7 =	simm.s32 @!p0 $0x108  }
0x21: {  	s3 =	sadd.s32 s3, s9;
	s6 =	sadd.s32 @!p0 $0x88, s6;
	s7 =	simm.s32 @p2 $0x1082  }
0x22: {  	[simem:s7], [sflag:s8] =	dma.local @!p0 [hbm:s6], $0xF7A  }
0x23: {  	s9 =	sor.u32 $0xD0000000, s2;
	s6 =	simm.s32 $0x108;
	_ =	swait.ge @!p0 [sflag:s8], $0x0  }
0x24: {  	s3 =	sadd.s32 $0x88, s3;
	s6 =	simm.s32 @!p1 $0x1082;
	[sflag:s4] =	ssyncset.s32 $0xFFFFF086  }
0x25: {  	[simem:s6], [sflag:s4] =	dma.local [hbm:s3], $0xF7A  }
0x26: {  	[smem:$0x3F9B] =	sst s1;
	(tag) =	ssettag s2;
	_ =	strace s9  }
0x27: {  	s1 =	sld [smem:$0x3FAB]  }
0x28: {  	s2 =	sld [smem:$0x3FAC]  }
0x29: {  	s4 =	sld [smem:$0x3FAE]  }
0x2a: {  	p0 =	seq.s32 s5, $0x0;
	s5 =	sld [smem:$0x3FAF]  }
0x2b: {  	s6 =	sld [smem:$0x3FB0]  }
0x2c: {  	s7 =	sld [smem:$0x3FB1]  }
0x2d: {  	s3 =	simm.s32 $0x108;
	s8 =	sld [smem:$0x3FB2]  }
0x2e: {  	s3 =	simm.s32 @!p0 $0x1082;
	s9 =	sld [smem:$0x3FB3]  }
0x2f: {  	lr =	sadd.s32 s0, s3;
	s0 =	sld [smem:$0x3FAA]  }
0x30: {  	s3 =	sld [smem:$0x3FAD]  }
0x31: {  	[smem:$0x3FB6] =	sst s10  }
0x32: {  	s10 =	sld [smem:$0x3FB4];
	_ =	sdelay $0x3  }
0x33: {  	p0 =	seq.s32 s10, $0x1;
	s10 =	sld [smem:$0x3FB6];
	_ =	sdelay $0x3  }
0x34: {  	[smem:$0x3FB6] =	sst s10  }
0x35: {  	s10 =	sld [smem:$0x3FB5];
	_ =	sdelay $0x3  }
0x36: {  	p1 =	seq.s32 s10, $0x1;
	s10 =	sld [smem:$0x3FB6];
	_ =	sdelay $0x3  }
0x37: {  	[smem:$0x3FB6] =	sst s10  }
0x38: {  	s10 =	sld [smem:$0x3FB7]  }
0x39: {  	_ = 	snop;
	(pc) =	sbr.ind lr, $3  }
0x3a: {  	_ = 	snop  }
0x3b: {  	_ = 	snop  }
0x3c: {  	p2 =	seq.s32 s10, $0x1;
	s10 =	sld [smem:$0x3FB6]  }
0x3d: {  	_ =	shalt  }
0x3e: {  	_ =	shalt  }
0x3f: {  	_ =	shalt  }
0x40: {  	_ =	shalt  }
0x41: {  	_ =	shalt  }
0x42: {  	_ =	shalt  }
0x43: {  	_ =	shalt  }
0x44: {  	_ =	shalt  }
0x45: {  	_ =	shalt  }
0x46: {  	_ =	shalt  }
0x47: {  	_ =	shalt  }
0x48: {  	_ =	shalt  }
0x49: {  	_ =	shalt  }
0x4a: {  	_ =	shalt  }
0x4b: {  	_ =	shalt  }
0x4c: {  	_ =	shalt  }
0x4d: {  	_ =	shalt  }
0x4e: {  	_ =	shalt  }
0x4f: {  	_ =	shalt  }
0x50: {  	_ =	shalt  }
0x51: {  	_ =	shalt  }
0x52: {  	_ =	shalt  }
0x53: {  	_ =	shalt  }
0x54: {  	_ =	shalt  }
0x55: {  	_ =	shalt  }
0x56: {  	_ =	shalt  }
0x57: {  	_ =	shalt  }
0x58: {  	_ =	shalt  }
0x59: {  	_ =	shalt  }
0x5a: {  	_ =	shalt  }
0x5b: {  	_ =	shalt  }
0x5c: {  	_ =	shalt  }
0x5d: {  	_ =	shalt  }
0x5e: {  	_ =	shalt  }
0x5f: {  	_ =	shalt  }
0x60: {  	_ =	shalt  }
0x61: {  	_ =	shalt  }
0x62: {  	_ =	shalt  }
0x63: {  	_ =	shalt  }
0x64: {  	_ =	shalt  }
0x65: {  	_ =	shalt  }
0x66: {  	_ =	shalt  }
0x67: {  	_ =	shalt  }
0x68: {  	_ =	shalt  }
0x69: {  	_ =	shalt  }
0x6a: {  	_ =	shalt  }
0x6b: {  	_ =	shalt  }
0x6c: {  	_ =	shalt  }
0x6d: {  	_ =	shalt  }
0x6e: {  	_ =	shalt  }
0x6f: {  	_ =	shalt  }
0x70: {  	_ =	shalt  }
0x71: {  	_ =	shalt  }
0x72: {  	_ =	shalt  }
0x73: {  	_ =	shalt  }
0x74: {  	_ =	shalt  }
0x75: {  	_ =	shalt  }
0x76: {  	_ =	shalt  }
0x77: {  	_ =	shalt  }
0x78: {  	_ =	shalt  }
0x79: {  	_ =	shalt  }
0x7a: {  	_ =	shalt  }
0x7b: {  	_ =	shalt  }
0x7c: {  	_ =	shalt  }
0x7d: {  	_ =	shalt  }
0x7e: {  	_ =	shalt  }
0x7f: {  	_ =	shalt  }
0x80: {  	_ =	shalt  }
0x81: {  	_ =	shalt  }
0x82: {  	_ =	shalt  }
0x83: {  	_ =	shalt  }
0x84: {  	_ =	shalt  }
0x85: {  	_ =	shalt  }
0x86: {  	_ =	shalt  }
0x87: {  	_ =	shalt  }
.Lfunc_end0:
.L_simem_size_0:
called_computation.1_lowered:
.L_overlay_start_0:
0x88: {  	s2 =	sld [smem:$0x3FD9]  }
0x89: {  	s3 =	sld [smem:$0x3FFE];
	_ =	sdelay $0x1  }
0x8a: {  	s1 =	srdreg.scid  }
0x8b: {  	s0 =	sand.u32 $0x1, s1  }
0x8c: {  	s17 =	sshll.u32 s0, $0xA;
	s2 =	sadd.s32 s3, s2  }
0x8d: {  	s2 =	sadd.s32 s2, s17  }
0x8e: {  	[smem:$0x3FC2] =	sst s2  }
0x8f: {  	_ = 	snop  }
0x90: {  	s2 =	sld [smem:$0x3FD0];
	(tm) =	ssettm $0x1  }
0x91: {  	s18 =	sld [smem:$0x3FFB];
	_ =	sdelay $0x3  }
0x92: {  	_ =	strace s18  }
0x93: {  	s3 =	sld [smem:$0x3FFC];
	_ =	sdelay $0x3  }
0x94: {  	_ =	strace s3  }
0x95: {  	s3 =	sld [smem:$0x3FFD];
	_ =	sdelay $0x3  }
0x96: {  	_ =	strace s3  }
0x97: {  	_ =	strace $0x8FFFFFFF  }
0x98: {  	s19 =	sld [smem:$0x3FDB];
	_ =	sdelay $0x1  }
0x99: {  	s4 =	simm.s32 $_scs_section_size  }
0x9a: {  	s5 =	simm.s32 $_size__tile_overlayer_lowered;
	s6 =	simm.s32 $_tile_overlayer_lowered  }
0x9b: {  	s22 =	simm.s32 $0x1BFF;
	s21 =	sshll.u32 s6, $0x1;
	s3 =	sadd.s32 s4, s19  }
0x9c: {  	s7 =	simm.s32 $0x0;
	s20 =	sshll.u32 s5, $0x1;
	s5 =	sadd.s32 s21, s3  }
0x9d: {  	[timem:s7], [sflag:s22] =	dma.local [hbm:s5], s20  }
0x9e: {  	_ =	swait.ge [sflag:s22], s20  }
0x9f: {  	s4 =	ssub.s32 $0x0, s20;
	[sflag:s22] =	ssyncset.done $0x0  }
0xa0: {  	[sflag:s22] =	ssyncadd.s32 s4;
	_ =	sdelay $0x1  }
0xa1: {  	s23 =	simm.s32 $0x1B8B  }
0xa2: {  	_ =	swait.ge [sflag:s23], $0x1  }
0xa3: {  	[sflag:s23] =	ssyncset.done $0x0  }
0xa4: {  	s25 =	simm.s32 $0x1B8E;
	s24 =	sld [smem:$0x3FFE];
	[sflag:s23] =	ssyncadd.s32 $0xFFFFFFFF  }
0xa5: {  	s26 =	simm.s32 $execute0_lowered;
	[smem:$0x3FD2] =	sst s25  }
0xa6: {  	s5 =	sshll.u32 s26, $0x1;
	_ =	strace $0x80000046;
	[dreg:$0x1] =	wrdreg $0xFFFFFFFF  }
0xa7: {  	s28 =	simm.s32 $_size_execute0_lowered;
	s3 =	sadd.s32 s3, s5;
	[dreg:$0x0] =	wrdreg $0x0  }
0xa8: {  	s5 =	sshll.u32 s28, $0x1;
	[dreg:$0x2] =	wrdreg s3  }
0xa9: {  	[dreg:$0x3] =	wrdreg s5  }
0xaa: {  	[dreg:$0x4] =	wrdreg $0xC0  }
0xab: {  	_ =	task [dreg:s7], $0x5FFFF  }
0xac: {  	[dreg:$0x1] =	wrdreg $0xFFFFFFFF  }
0xad: {  	[dreg:$0x0] =	wrdreg $0x60  }
0xae: {  	[dreg:$0x2] =	wrdreg s24  }
0xaf: {  	[dreg:$0x3] =	wrdreg s2  }
0xb0: {  	[dreg:$0x4] =	wrdreg $0x9  }
0xb1: {  	_ =	task.clear_ibuf [dreg:s7], $0x5FFFF;
	_ =	strace $0x90000046  }
0xb2: {  	s29 =	simm.s32 $0x9;
	_ =	strace $0x80000048  }
0xb3: {  	_ =	swait.ge [sflag:s29], $0x1  }
0xb4: {  	[sflag:s29] =	ssyncadd.s32 $0xFFFFFFFF  }
0xb5: {  	_ =	strace $0x90000048  }
0xb6: {  	_ =	sfence  }
0xb7: {  	s30 =	sld [smem:$0x0];
	_ =	sdelay $0x2  }
0xb8: {  	s31 =	sshll.u32 s1, $0xD;
	s1 =	sshrl.u32 s1, $0x2  }
0xb9: {  	s3 =	sand.u32 $0x4000, s31;
	s1 =	sadd.s32 s1, s30  }
0xba: {  	s0 =	sor.u32 s3, s0;
	s1 =	sshll.u32 s1, $0x11  }
0xbb: {  	s0 =	sor.u32 s1, s0  }
0xbc: {  	s0 =	sadd.s32 $0x8F2B, s0  }
0xbd: {  	[sflag:s0] =	ssyncadd.remote.s32 $0x1  }
0xbe: {  	_ =	sfence.sel $0xFFFF  }
0xbf: {  	[dreg:$0x0] =	wrdreg $0xFFFFFFFF;
	(pc) =	sbr.abs _section_cstart, $3  }
0xc0: {  	[dreg:$0x1] =	wrdreg $0xFFFFFFFF  }
0xc1: {  	_ =	task.clear_ibuf [dreg:s7], $0x2FFFF;
	_ =	strace $0x9FFFFFFF  }
0xc2: {  	(tm) =	ssettm $0x7FFFFFFF  }
0xc3: {  	_ =	shalt  }
tec
execute0_lowered:
.L_overlay_start_1:
0x0: {  	(tag) =	ssettag $0x1  }
0x1: {  	s0 =	srdreg.scid;
	s4 =	rddreg [dreg:$0x0]  }
0x2: {  	s11 =	stileid.u32;
	s12 =	rddreg [dreg:$0x1];
	s2 =	simm.s32 $0x0  }
0x3: {  	s14 =	simm.s32 $0x5;
	s15 =	simm.s32 $0x190;
	s16 =	simm.s32 $0x6400  }
0x4: {  	s17 =	simm.s32 $0xC800;
	s19 =	simm.s32 $0x12C00;
	s20 =	simm.s32 $0x4B0  }
0x5: {  	s21 =	simm.s32 $0x19000;
	s22 =	simm.s32 $0x1;
	s23 =	simm.s32 $0x2  }
0x6: {  	s24 =	simm.s32 $0x3;
	s25 =	simm.s32 $0x4;
	s8 =	smul.u32 $0xC800, s11  }
0x7: {  	s26 =	simm.s32 $0x0;
	s0 =	sand.u32 $0x1, s0;
	s13 =	smul.u32 $0x64000, s11  }
0x8: {  	s1 =	sshll.u32 s11, $0x1;
	[smem:$0x7FF] =	sst s2;
	s9 =	smul.u32 $0x6400, s0  }
0x9: {  	s1 =	sor.u32 s0, s1;
	s30 =	ssub.s32 $0x2, s0;
	s0 =	smul.u32 $0x32000, s0  }
0xa: {  	_ =	strace $0x80000047;
	s3 =	smul.u32 $0x6400, s1;
	s6 =	sshrl.u32 s30, $0x1  }
0xb: {  	s1 =	smul.u32 $0x190000, s1;
	s13 =	sadd.s32 s13, s12;
	s10 =	ssub.s32 s30, s6  }
0xc: {  	s9 =	sadd.s32 s9, s8;
	s13 =	sadd.s32 s0, s13;
	s5 =	sshrl.u32 s3, $0x3  }
0xd: {  	s3 =	sadd.s32 $0x1A800, s4;
	s1 =	sshrl.u32 s1, $0x3;
	s31 =	sshll.u32 s9, $0x3  }
0xe: {  	s9 =	smax.u32 s10, $0x1;
	s4 =	sadd.s32 s5, s4;
	s1 =	sadd.s32 s12, s1  }
0xf: {  	s4 =	sadd.s32 $0x1800, s4;
	s5 =	sadd.s32 $0x2EE00, s1;
	s6 =	sadd.s32 $0x2FA80, s1  }
0x10: {  	s7 =	sadd.s32 $0x30700, s1;
	s8 =	sadd.s32 $0x31380, s1;
	s1 =	sadd.s32 s31, s12  }
0x11: {  	s10 =	sadd.s32 $0x2580, s1;
	s11 =	sadd.s32 $0x1900, s1;
	s12 =	sadd.s32 $0xC80, s1  }
.LBB2_1:
0x12: {  	[tilespmem:s2], [sflag:$0x5] =	stream.linear.gather [hbm4b:s4+s2], $0x6400, $0x38;
	[tilespmem:$0x1F400] =	vst v63  }
0x13: {  	_ =	swait.ge [sflag:s14], $0x6400  }
0x14: {  	[sflag:s14] =	ssyncset.done $0x0  }
0x15: {  	[sflag:s14] =	ssyncadd.s32 $0xFFFF9C00  }
0x16: {  	[tilespmem:s16], [sflag:$0x1] =	stream.indirect.gather [hbm4b:s3+s15], $0x40, s2, s15, $0xb8;
	[tilespmem:$0x1F400] =	vst v63  }
0x17: {  	_ = 	snop  }
0x18: {  	[tilespmem:s17], [sflag:$0x2] =	stream.indirect.gather [hbm4b:s3+s15], $0x40, s15, s15, $0xb8;
	[tilespmem:$0x1F400] =	vst v63  }
0x19: {  	s0 =	simm.s32 $0x320  }
0x1a: {  	[tilespmem:s19], [sflag:$0x3] =	stream.indirect.gather [hbm4b:s3+s15], $0x40, s0, s15, $0xb8;
	[tilespmem:$0x1F400] =	vst v63  }
0x1b: {  	_ = 	snop  }
0x1c: {  	[tilespmem:s21], [sflag:$0x4] =	stream.indirect.gather [hbm4b:s3+s15], $0x40, s20, s15, $0xb8;
	[tilespmem:$0x1F400] =	vst v63  }
0x1d: {  	_ =	swait.ge [sflag:s22], $0x6400  }
0x1e: {  	[sflag:s22] =	ssyncset.done $0x0  }
0x1f: {  	[sflag:s22] =	ssyncadd.s32 $0xFFFF9C00  }
0x20: {  	[hbm4b:s13+s2] =	stream.linear.scatter [tilespmem:s16], [sflag:$0x5], $0x6400, $0x38;
	[tilespmem:$0x1F400] =	vst v63  }
0x21: {  	_ =	swait.ge [sflag:s14], $0x6400  }
0x22: {  	[sflag:s14] =	ssyncset.done $0x0  }
0x23: {  	s18 =	simm.s32 $0x640;
	[sflag:s14] =	ssyncadd.s32 $0xFFFF9C00  }
0x24: {  	[tilespmem:s16], [sflag:$0x1] =	stream.indirect.gather [hbm4b:s3+s15], $0x40, s18, s15, $0xb8;
	[tilespmem:$0x1F400] =	vst v63  }
0x25: {  	_ =	swait.ge [sflag:s23], $0x6400  }
0x26: {  	[sflag:s23] =	ssyncset.done $0x0  }
0x27: {  	[sflag:s23] =	ssyncadd.s32 $0xFFFF9C00  }
0x28: {  	[hbm4b:s12+s2] =	stream.linear.scatter [tilespmem:s17], [sflag:$0x5], $0x6400, $0x38;
	[tilespmem:$0x1F400] =	vst v63  }
0x29: {  	_ =	swait.ge [sflag:s14], $0x6400  }
0x2a: {  	[sflag:s14] =	ssyncset.done $0x0  }
0x2b: {  	s1 =	simm.s32 $0x7D0;
	[sflag:s14] =	ssyncadd.s32 $0xFFFF9C00  }
0x2c: {  	[tilespmem:s17], [sflag:$0x2] =	stream.indirect.gather [hbm4b:s3+s15], $0x40, s1, s15, $0xb8;
	[tilespmem:$0x1F400] =	vst v63  }
0x2d: {  	_ =	swait.ge [sflag:s24], $0x6400  }
0x2e: {  	[sflag:s24] =	ssyncset.done $0x0  }
0x2f: {  	[sflag:s24] =	ssyncadd.s32 $0xFFFF9C00  }
0x30: {  	[hbm4b:s11+s2] =	stream.linear.scatter [tilespmem:s19], [sflag:$0x5], $0x6400, $0x38;
	[tilespmem:$0x1F400] =	vst v63  }
0x31: {  	_ =	swait.ge [sflag:s14], $0x6400  }
0x32: {  	[sflag:s14] =	ssyncset.done $0x0  }
0x33: {  	s18 =	simm.s32 $0x960;
	[sflag:s14] =	ssyncadd.s32 $0xFFFF9C00  }
0x34: {  	[tilespmem:s19], [sflag:$0x3] =	stream.indirect.gather [hbm4b:s3+s15], $0x40, s18, s15, $0xb8;
	[tilespmem:$0x1F400] =	vst v63  }
0x35: {  	_ =	swait.ge [sflag:s25], $0x6400  }
0x36: {  	[sflag:s25] =	ssyncset.done $0x0  }
0x37: {  	[sflag:s25] =	ssyncadd.s32 $0xFFFF9C00  }
0x38: {  	[hbm4b:s10+s2] =	stream.linear.scatter [tilespmem:s21], [sflag:$0x5], $0x6400, $0x38;
	[tilespmem:$0x1F400] =	vst v63  }
0x39: {  	s28 =	simm.s32 $0x1900;
	s29 =	sadd.s32 $0x3200, s13;
	_ =	swait.ge [sflag:s14], $0x6400  }
0x3a: {  	s30 =	sadd.s32 $0x3200, s11;
	s31 =	sadd.s32 $0x3200, s12;
	[sflag:s14] =	ssyncset.done $0x0  }
0x3b: {  	s0 =	simm.s32 $0xAF0;
	s1 =	sadd.s32 $0x3200, s10;
	[sflag:s14] =	ssyncadd.s32 $0xFFFF9C00  }
.LBB2_2:
0x3c: {  	[tilespmem:s21], [sflag:$0x4] =	stream.indirect.gather [hbm4b:s3+s15], $0x40, s0, s15, $0xb8;
	[tilespmem:$0x1F400] =	vst v63  }
0x3d: {  	s0 =	smov.u32 s28  }
0x3e: {  	p0 =	sne.s32 s28, $0x15E00;
	s28 =	sadd.s32 $0x1900, s28;
	_ =	swait.ge [sflag:s22], $0x6400  }
0x3f: {  	[sflag:s22] =	ssyncset.done $0x0  }
0x40: {  	[sflag:s22] =	ssyncadd.s32 $0xFFFF9C00  }
0x41: {  	[hbm4b:s29+s2] =	stream.linear.scatter [tilespmem:s16], [sflag:$0x5], $0x6400, $0x38;
	[tilespmem:$0x1F400] =	vst v63  }
0x42: {  	_ =	swait.ge [sflag:s14], $0x6400  }
0x43: {  	s0 =	sshra.s32 s0, $0x2;
	[sflag:s14] =	ssyncset.done $0x0  }
0x44: {  	s18 =	sadd.s32 $0x640, s0;
	[sflag:s14] =	ssyncadd.s32 $0xFFFF9C00  }
0x45: {  	[tilespmem:s16], [sflag:$0x1] =	stream.indirect.gather [hbm4b:s3+s15], $0x40, s18, s15, $0xb8;
	[tilespmem:$0x1F400] =	vst v63  }
0x46: {  	_ =	swait.ge [sflag:s23], $0x6400  }
0x47: {  	[sflag:s23] =	ssyncset.done $0x0  }
0x48: {  	[sflag:s23] =	ssyncadd.s32 $0xFFFF9C00  }
0x49: {  	[hbm4b:s31+s2] =	stream.linear.scatter [tilespmem:s17], [sflag:$0x5], $0x6400, $0x38;
	[tilespmem:$0x1F400] =	vst v63  }
0x4a: {  	_ =	swait.ge [sflag:s14], $0x6400  }
0x4b: {  	[sflag:s14] =	ssyncset.done $0x0  }
0x4c: {  	s18 =	sadd.s32 $0x7D0, s0;
	[sflag:s14] =	ssyncadd.s32 $0xFFFF9C00  }
0x4d: {  	[tilespmem:s17], [sflag:$0x2] =	stream.indirect.gather [hbm4b:s3+s15], $0x40, s18, s15, $0xb8;
	[tilespmem:$0x1F400] =	vst v63  }
0x4e: {  	_ =	swait.ge [sflag:s24], $0x6400  }
0x4f: {  	[sflag:s24] =	ssyncset.done $0x0  }
0x50: {  	[sflag:s24] =	ssyncadd.s32 $0xFFFF9C00  }
0x51: {  	[hbm4b:s30+s2] =	stream.linear.scatter [tilespmem:s19], [sflag:$0x5], $0x6400, $0x38;
	[tilespmem:$0x1F400] =	vst v63  }
0x52: {  	_ =	swait.ge [sflag:s14], $0x6400  }
0x53: {  	[sflag:s14] =	ssyncset.done $0x0  }
0x54: {  	s18 =	sadd.s32 $0x960, s0;
	[sflag:s14] =	ssyncadd.s32 $0xFFFF9C00  }
0x55: {  	[tilespmem:s19], [sflag:$0x3] =	stream.indirect.gather [hbm4b:s3+s15], $0x40, s18, s15, $0xb8;
	[tilespmem:$0x1F400] =	vst v63  }
0x56: {  	_ =	swait.ge [sflag:s25], $0x6400  }
0x57: {  	[sflag:s25] =	ssyncset.done $0x0  }
.Ltmp0:
0x58: {  	[sflag:s25] =	ssyncadd.s32 $0xFFFF9C00;
	(pc) =	sbr.rel @p0 .LBB2_2-.Ltmp0, $4  }
0x59: {  	[hbm4b:s1+s2] =	stream.linear.scatter [tilespmem:s21], [sflag:$0x5], $0x6400, $0x38;
	[tilespmem:$0x1F400] =	vst v63  }
0x5a: {  	s29 =	sadd.s32 $0x3200, s29;
	_ =	swait.ge [sflag:s14], $0x6400  }
0x5b: {  	s31 =	sadd.s32 $0x3200, s31;
	s30 =	sadd.s32 $0x3200, s30;
	[sflag:s14] =	ssyncset.done $0x0  }
0x5c: {  	s0 =	sadd.s32 $0xAF0, s0;
	s1 =	sadd.s32 $0x3200, s1;
	[sflag:s14] =	ssyncadd.s32 $0xFFFF9C00  }
0x5d: {  	[tilespmem:s21], [sflag:$0x4] =	stream.indirect.gather [hbm4b:s3+s15], $0x40, s0, s15, $0xb8;
	[tilespmem:$0x1F400] =	vst v63  }
0x5e: {  	_ =	swait.ge [sflag:s22], $0x6400  }
0x5f: {  	[sflag:s22] =	ssyncset.done $0x0  }
0x60: {  	[sflag:s22] =	ssyncadd.s32 $0xFFFF9C00  }
0x61: {  	[hbm4b:s5+s2] =	stream.linear.scatter [tilespmem:s16], [sflag:$0x5], $0x6400, $0x38;
	[tilespmem:$0x1F400] =	vst v63  }
0x62: {  	_ =	swait.ge [sflag:s14], $0x6400  }
0x63: {  	[sflag:s14] =	ssyncset.done $0x0  }
0x64: {  	[sflag:s14] =	ssyncadd.s32 $0xFFFF9C00  }
0x65: {  	_ =	swait.ge [sflag:s23], $0x6400  }
0x66: {  	[sflag:s23] =	ssyncset.done $0x0  }
0x67: {  	[sflag:s23] =	ssyncadd.s32 $0xFFFF9C00  }
0x68: {  	[hbm4b:s6+s2] =	stream.linear.scatter [tilespmem:s17], [sflag:$0x5], $0x6400, $0x38;
	[tilespmem:$0x1F400] =	vst v63  }
0x69: {  	_ =	swait.ge [sflag:s14], $0x6400  }
0x6a: {  	[sflag:s14] =	ssyncset.done $0x0  }
0x6b: {  	[sflag:s14] =	ssyncadd.s32 $0xFFFF9C00  }
0x6c: {  	_ =	swait.ge [sflag:s24], $0x6400  }
0x6d: {  	[sflag:s24] =	ssyncset.done $0x0  }
0x6e: {  	[sflag:s24] =	ssyncadd.s32 $0xFFFF9C00  }
0x6f: {  	[hbm4b:s7+s2] =	stream.linear.scatter [tilespmem:s19], [sflag:$0x5], $0x6400, $0x38;
	[tilespmem:$0x1F400] =	vst v63  }
0x70: {  	_ =	swait.ge [sflag:s14], $0x6400  }
0x71: {  	[sflag:s14] =	ssyncset.done $0x0  }
0x72: {  	[sflag:s14] =	ssyncadd.s32 $0xFFFF9C00  }
0x73: {  	s26 =	sadd.s32 $0x1, s26;
	_ =	swait.ge [sflag:s25], $0x6400  }
0x74: {  	p0 =	sne.s32 s26, s9;
	[sflag:s25] =	ssyncset.done $0x0  }
.Ltmp1:
0x75: {  	[sflag:s25] =	ssyncadd.s32 $0xFFFF9C00;
	(pc) =	sbr.rel @p0 .LBB2_1-.Ltmp1, $4  }
0x76: {  	[hbm4b:s8+s2] =	stream.linear.scatter [tilespmem:s21], [sflag:$0x5], $0x6400, $0x38;
	[tilespmem:$0x1F400] =	vst v63  }
0x77: {  	_ =	swait.ge [sflag:s14], $0x6400  }
0x78: {  	[sflag:s14] =	ssyncset.done $0x0  }
0x79: {  	[sflag:s14] =	ssyncadd.s32 $0xFFFF9C00  }
0x7a: {  	_ =	sfence.sel $0x180000  }
0x7b: {  	[bflag:$0x0] =	sbarrier.arrive $0xFFFF  }
0x7c: {  	_ =	strace $0x90000047  }
0x7d: {  	s0 =	stileid.u32;
	[bflag:$0x2] =	sbarrier.arrive $0xFFFF  }
0x7e: {  	p0 =	sne.s32 s0, $0x0;
	s0 =	rddreg [dreg:$0x2]  }
0x7f: {  	s0 =	sadd.s32 @!p0 $0x100000, s0  }
0x80: {  	[sflag:s0] =	ssyncadd.tile.s32 @!p0 $0x1;
	_ =	shalt  }
.Lfunc_end2:
_tile_overlayer_lowered:
.L_overlay_start_2:
0x81: {  	(tag) =	ssettag $0x2  }
0x82: {  	s0 =	rddreg [dreg:$0x0];
	s2 =	stileid.u32  }
0x83: {  	s1 =	rddreg [dreg:$0x1];
	p0 =	sne.s32 s2, $0x0  }
0x84: {  	s3 =	rddreg [dreg:$0x2];
	[bflag:$0x3] =	sbarrier.arrive $0xFFFF;
	s2 =	simm.s32 @!p0 $0x1C05  }
0x85: {  	[timem:s3], [sflag:s2] =	dma.local @!p0 [hbm:s0], s1  }
0x86: {  	s0 =	simm.s32 @!p0 $0x5  }
0x87: {  	_ =	swait.ge @!p0 [sflag:s0], s1  }
0x88: {  	s1 =	ssub.s32 @!p0 $0x0, s1;
	[sflag:s0] =	ssyncset.done @!p0 $0x0  }
0x89: {  	[sflag:s0] =	ssyncadd.s32 @!p0 s1  }
0x8a: {  	[bflag:$0x3] =	sbarrier.arrive $0xFFFF  }
0x8b: {  	_ =	shalt  }

// kernel: sparse-core-data-format-call.cloned.1.call-start
scs
called_computation_lowered:
.L_overlay_start_0:
0x0: {  	s2 =	sld [smem:$0x3FD9]  }
0x1: {  	s3 =	sld [smem:$0x3FFE];
	_ =	sdelay $0x1  }
0x2: {  	s1 =	srdreg.scid  }
0x3: {  	s0 =	sand.u32 $0x1, s1  }
0x4: {  	s18 =	sshll.u32 s0, $0xA;
	s2 =	sadd.s32 s3, s2  }
0x5: {  	s2 =	sadd.s32 s2, s18  }
0x6: {  	[smem:$0x3FC2] =	sst s2  }
0x7: {  	_ = 	snop  }
0x8: {  	s2 =	sld [smem:$0x3FD0];
	(tm) =	ssettm $0x1  }
0x9: {  	s19 =	sld [smem:$0x3FFB];
	_ =	sdelay $0x3  }
0xa: {  	_ =	strace s19  }
0xb: {  	s3 =	sld [smem:$0x3FFC];
	_ =	sdelay $0x3  }
0xc: {  	_ =	strace s3  }
0xd: {  	s3 =	sld [smem:$0x3FFD];
	_ =	sdelay $0x3  }
0xe: {  	_ =	strace s3  }
0xf: {  	_ =	strace $0x8FFFFFFF  }
0x10: {  	s20 =	sld [smem:$0x3FDB];
	_ =	sdelay $0x1  }
0x11: {  	s4 =	simm.s32 $_scs_section_size  }
0x12: {  	s5 =	simm.s32 $_size__tile_overlayer_lowered;
	s6 =	simm.s32 $_tile_overlayer_lowered  }
0x13: {  	s23 =	simm.s32 $0x1BFF;
	s22 =	sshll.u32 s6, $0x1;
	s3 =	sadd.s32 s4, s20  }
0x14: {  	s7 =	simm.s32 $0x0;
	s21 =	sshll.u32 s5, $0x1;
	s5 =	sadd.s32 s22, s3  }
0x15: {  	[timem:s7], [sflag:s23] =	dma.local [hbm:s5], s21  }
0x16: {  	_ =	swait.ge [sflag:s23], s21  }
0x17: {  	s4 =	ssub.s32 $0x0, s21;
	[sflag:s23] =	ssyncset.done $0x0  }
0x18: {  	[sflag:s23] =	ssyncadd.s32 s4;
	_ =	sdelay $0x1  }
0x19: {  	s24 =	simm.s32 $0x1B8B  }
0x1a: {  	_ =	swait.ge [sflag:s24], $0x1  }
0x1b: {  	[sflag:s24] =	ssyncset.done $0x0  }
0x1c: {  	s26 =	simm.s32 $0x1B8E;
	s25 =	sld [smem:$0x3FFE];
	[sflag:s24] =	ssyncadd.s32 $0xFFFFFFFF  }
0x1d: {  	s27 =	simm.s32 $execute0_lowered;
	[smem:$0x3FD2] =	sst s26  }
0x1e: {  	s5 =	sshll.u32 s27, $0x1;
	_ =	strace $0x80000049;
	[dreg:$0x1] =	wrdreg $0xFFFFFFFF  }
0x1f: {  	s28 =	simm.s32 $_size_execute0_lowered;
	s3 =	sadd.s32 s3, s5;
	[dreg:$0x0] =	wrdreg $0x0  }
0x20: {  	s5 =	sshll.u32 s28, $0x1;
	[dreg:$0x2] =	wrdreg s3  }
0x21: {  	[dreg:$0x3] =	wrdreg s5  }
0x22: {  	[dreg:$0x4] =	wrdreg $0xC0  }
0x23: {  	_ =	task [dreg:s7], $0x5FFFF  }
0x24: {  	[dreg:$0x1] =	wrdreg $0xFFFFFFFF  }
0x25: {  	[dreg:$0x0] =	wrdreg $0x60  }
0x26: {  	[dreg:$0x2] =	wrdreg s25  }
0x27: {  	[dreg:$0x3] =	wrdreg s2  }
0x28: {  	[dreg:$0x4] =	wrdreg $0x9  }
0x29: {  	_ =	task.clear_ibuf [dreg:s7], $0x5FFFF;
	_ =	strace $0x90000049  }
0x2a: {  	s29 =	simm.s32 $0x9;
	_ =	strace $0x8000004B  }
0x2b: {  	_ =	swait.ge [sflag:s29], $0x1  }
0x2c: {  	[sflag:s29] =	ssyncadd.s32 $0xFFFFFFFF  }
0x2d: {  	_ =	strace $0x9000004B  }
0x2e: {  	_ =	sfence  }
0x2f: {  	s30 =	sld [smem:$0x0];
	_ =	sdelay $0x2  }
0x30: {  	s31 =	sshll.u32 s1, $0xD;
	s1 =	sshrl.u32 s1, $0x2  }
0x31: {  	s3 =	sand.u32 $0x4000, s31;
	s1 =	sadd.s32 s1, s30  }
0x32: {  	s0 =	sor.u32 s3, s0;
	s1 =	sshll.u32 s1, $0x11  }
0x33: {  	s0 =	sor.u32 s1, s0  }
0x34: {  	s0 =	sadd.s32 $0x8F2B, s0  }
0x35: {  	[sflag:s0] =	ssyncadd.remote.s32 $0x1  }
0x36: {  	_ =	sfence.sel $0xFFFF  }
0x37: {  	[dreg:$0x0] =	wrdreg $0xFFFFFFFF;
	(pc) =	sbr.abs _section_cstart, $3  }
0x38: {  	[dreg:$0x1] =	wrdreg $0xFFFFFFFF  }
0x39: {  	_ =	task.clear_ibuf [dreg:s7], $0x2FFFF;
	_ =	strace $0x9FFFFFFF  }
0x3a: {  	(tm) =	ssettm $0x7FFFFFFF  }
0x3b: {  	_ =	shalt  }
tec
execute0_lowered:
.L_overlay_start_1:
0x0: {  	(tag) =	ssettag $0x1  }
0x1: {  	s0 =	srdreg.scid  }
0x2: {  	s1 =	sshll.u32 s0, $0x4  }
0x3: {  	s0 =	stileid.u32;
	s1 =	sand.u32 $0x10, s1  }
0x4: {  	s1 =	sor.u32 s0, s1  }
0x5: {  	s6 =	rddreg [dreg:$0x0];
	s4 =	simm.s32 $0x1;
	s2 =	sshll.u32 s1, $0x7  }
0x6: {  	s7 =	simm.s32 $0x2;
	s12 =	simm.s32 $0x0;
	s1 =	ssub.s32 $0x4000, s2  }
0x7: {  	s8 =	simm.s32 $0x20000;
	s13 =	simm.s32 $0x0;
	s3 =	sand.u32 $0xF80, s1  }
0x8: {  	s9 =	simm.s32 $0x0;
	s5 =	sshrl.u32 s1, $0xC;
	p0 =	sne.s32 s3, $0x0  }
.Ltmp0:
0x9: {  	s1 =	rddreg [dreg:$0x2];
	s4 =	simm.s32 @!p0 $0x0;
	(pc) =	sbr.rel .LBB1_1-.Ltmp0, $4  }
0xa: {  	s11 =	simm.s32 $0x0;
	s3 =	rddreg [dreg:$0x1];
	s5 =	sadd.s32 s4, s5  }
0xb: {  	_ =	strace $0x8000004A;
	s4 =	simm.s32 $0x1;
	s5 =	smul.u32 $0x32, s5  }
0xc: {  	s6 =	sadd.s32 $0x1800, s6;
	s10 =	smov.u32 s2;
	[sflag:s4] =	ssyncpa.u1 $0x0  }
0xd: {  	p0 =	por $0x0, $0x0;
	[sflag:s7] =	ssyncpa.u1 $0x0;
	s7 =	sor.u32 $0x1, s5  }
.LBB1_4:
0xe: {  	s16 =	sshll.u32 s13, $0x3;
	s17 =	sand.u32 $0x78, s13  }
0xf: {  	s30 =	sand.u32 $0x1F800, s13;
	s12 =	sshll.u32 s12, $0x11;
	s16 =	sand.u32 $0x3C00, s16  }
0x10: {  	[tilespmem:s15+$0x810 ss:$0x81] =	vst.msk $0xffff, v2;
	s31 =	sand.u32 $0x7, s13;
	s16 =	sor.u32 s17, s16;
	s17 =	sadd.s32 s3, s30  }
0x11: {  	[tilespmem:s15+$0x1020 ss:$0x81] =	vst.msk $0xffff, v0;
	s13 =	sshll.u32 s31, $0x12;
	s12 =	sadd.s32 s12, s17;
	s16 =	sshrl.u32 s16, $0x3  }
0x12: {  	[tilespmem:s15+$0x0 ss:$0x81] =	vst.msk $0xffff, v1;
	s13 =	sor.u32 $0x400, s13;
	s12 =	sadd.s32 s16, s12  }
0x13: {  	[hbm4b:s12+s13] =	stream.strided.scatter [tilespmem:s14], [sflag:$0x2], $0x2000, s8, s13, $0x20;
	[tilespmem:$0x8080] =	vst v63  }
.LBB1_5:
0x14: {  	s14 =	sadd.s32 $0x1, s9  }
0x15: {  	s12 =	sadd.s32 $0x1000, s10;
	s16 =	smov.u32 s10;
	p2 =	sgt.s32 s14, $0x31  }
0x16: {  	s16 =	smov.u32 @p2 s12  }
0x17: {  	s14 =	simm.s32 @p2 $0x0;
	p2 =	sgt.s32 s16, $0x3FFF  }
0x18: {  	s16 =	smov.u32 @p2 s2;
	p2 =	sne.s32 s11, s7  }
.Ltmp1:
0x19: {  	p1 =	slt.u32 s11, $0x2;
	(pc) =	sbr.rel @!p2 .LBB1_6-.Ltmp1, $4  }
0x1a: {  	s15 =	simm.s32 @!p1 $0x2  }
0x1b: {  	s13 =	smov.u32 s10;
	p0 =	por !p0, !p0;
	_ =	swait.ge @!p1 [sflag:s15], $0x2000  }
0x1c: {  	s12 =	smov.u32 s9;
	[sflag:s15] =	ssyncset.done @!p1 $0x0;
	s9 =	smov.u32 s14  }
0x1d: {  	s11 =	sadd.s32 $0x1, s11;
	[sflag:s15] =	ssyncadd.s32 @!p1 $0xFFFFE000;
	s10 =	smov.u32 s16  }
.LBB1_1:
0x1e: {  	p1 =	sge.u32 s11, s5  }
0x1f: {  	s14 =	sand.u32 @!p1 $0x1FFFFFF, s9  }
0x20: {  	s15 =	smulhi.u32 @!p1 $0x4924925, s14;
	_ =	sdelay $0x1  }
0x21: {  	s15 =	smul.u32 @!p1 $0x38, s15  }
0x22: {  	s16 =	sxor.u32 @!p1 $0xFFFFFFFF, s11;
	s17 =	smul.u32 @!p1 $0x380, s10  }
0x23: {  	s31 =	sadd.s32 $0xFFFFFFFF, s11;
	s16 =	sshll.u32 @!p1 s16, $0xD;
	s14 =	ssub.s32 @!p1 s14, s15  }
0x24: {  	s15 =	sand.u32 @!p1 $0x2000, s16;
	s16 =	sadd.s32 @!p1 s6, s17;
	s14 =	sshll.u32 @!p1 s14, $0x4  }
0x25: {  	s17 =	simm.s32 @!p1 $0x1C00;
	s14 =	sadd.s32 @!p1 s14, s16;
	s16 =	simm.s32 @!p1 $0x40  }
0x26: {  	[tilespmem:s15], [sflag:$0x1] =	stream.strided.gather @!p1 [hbm4b:s14+s16], $0x2000, s17, s16, $0x38;
	[tilespmem:$0x8080] =	vst v63  }
0x27: {  	p1 =	sge.u32 s31, s5  }
.Ltmp2:
0x28: {  	_ = 	snop;
	(pc) =	sbr.rel @p1 .LBB1_5-.Ltmp2, $1  }
0x29: {  	_ =	sdelay $0x3  }
0x2a: {  	s14 =	simm.s32 $0x1  }
0x2b: {  	_ =	swait.ge [sflag:s4], $0x2000;
	s14 =	simm.s32 @!p0 $0x0  }
0x2c: {  	[sflag:s4] =	ssyncset.done $0x0;
	s15 =	sshll.u32 s14, $0xD  }
0x2d: {  	[sflag:s4] =	ssyncadd.s32 $0xFFFFE000;
	s18 =	sor.u32 $0x20, s15  }
0x2e: {  	s14 =	smul.u32 $0x8100, s14;
	v3 =	vld [tilespmem:s18+$0x10]  }
0x2f: {  	s30 =	sand.u32 $0x1, s11;
	v2 =	vld [tilespmem:s18+$0xFFFFFFF0]  }
0x30: {  	s15 =	smul.u32 $0x8100, s30;
	s14 =	sshrl.u32 s14, $0x2;
	v0 =	vld [tilespmem:s18+$0x0]  }
0x31: {  	v1 =	vld [tilespmem:s18+$0xFFFFFFE0];
	s16 =	sor.u32 $0x4000, s14  }
0x32: {  	s31 =	sshrl.u32 s15, $0x2;
	s15 =	sadd.s32 $0x0, s16  }
0x33: {  	s17 =	simm.s32 $0x4;
	s18 =	sadd.s32 $0x40, s18;
	s14 =	sor.u32 $0x4000, s31;
	[tilespmem:s15+$0x1830 ss:$0x81] =	vst.msk $0xffff, v3  }
.LBB1_3:
0x34: {  	v3 =	vld [tilespmem:s18+$0x10];
	p1 =	sne.s32 s17, $0x1FC;
	[tilespmem:s15+$0x810 ss:$0x81] =	vst.msk $0xffff, v2;
	s19 =	smov.u32 s17;
	s17 =	sadd.s32 $0x4, s17  }
.Ltmp3:
0x35: {  	v2 =	vld [tilespmem:s18+$0xFFFFFFF0];
	[tilespmem:s15+$0x1020 ss:$0x81] =	vst.msk $0xffff, v0;
	(pc) =	sbr.rel @p1 .LBB1_3-.Ltmp3, $4  }
0x36: {  	v0 =	vld [tilespmem:s18+$0x0];
	[tilespmem:s15+$0x0 ss:$0x81] =	vst.msk $0xffff, v1  }
0x37: {  	s15 =	sshra.s32 s19, $0x2;
	v1 =	vld [tilespmem:s18+$0xFFFFFFE0]  }
0x38: {  	s15 =	sadd.s32 s15, s16  }
0x39: {  	s18 =	sadd.s32 $0x40, s18;
	[tilespmem:s15+$0x1830 ss:$0x81] =	vst.msk $0xffff, v3  }
.Ltmp4:
0x3a: {  	_ = 	snop;
	(pc) =	sbr.rel .LBB1_4-.Ltmp4, $1  }
0x3b: {  	_ =	sdelay $0x3  }
.LBB1_6:
0x3c: {  	_ =	sfence.sel $0x180000  }
0x3d: {  	s2 =	simm.s32 $0x1;
	[bflag:$0x0] =	sbarrier.arrive $0xFFFF  }
0x3e: {  	s31 =	simm.s32 $0x2;
	[sflag:s2] =	ssyncpa.u1 $0x1  }
0x3f: {  	[sflag:s31] =	ssyncpa.u1 $0x1  }
0x40: {  	p0 =	sne.s32 s0, $0x0;
	_ =	strace $0x9000004A  }
0x41: {  	s0 =	sadd.s32 @!p0 $0x100000, s1;
	[bflag:$0x2] =	sbarrier.arrive $0xFFFF  }
0x42: {  	[sflag:s0] =	ssyncadd.tile.s32 @!p0 $0x1;
	_ =	shalt  }
.Lfunc_end1:
_tile_overlayer_lowered:
.L_overlay_start_2:
0x43: {  	(tag) =	ssettag $0x2  }
0x44: {  	s0 =	rddreg [dreg:$0x0];
	s2 =	stileid.u32  }
0x45: {  	s1 =	rddreg [dreg:$0x1];
	p0 =	sne.s32 s2, $0x0  }
0x46: {  	s3 =	rddreg [dreg:$0x2];
	[bflag:$0x3] =	sbarrier.arrive $0xFFFF;
	s2 =	simm.s32 @!p0 $0x1C01  }
0x47: {  	[timem:s3], [sflag:s2] =	dma.local @!p0 [hbm:s0], s1  }
0x48: {  	s0 =	simm.s32 @!p0 $0x1  }
0x49: {  	_ =	swait.ge @!p0 [sflag:s0], s1  }
0x4a: {  	s1 =	ssub.s32 @!p0 $0x0, s1;
	[sflag:s0] =	ssyncset.done @!p0 $0x0  }
0x4b: {  	[sflag:s0] =	ssyncadd.s32 @!p0 s1  }
0x4c: {  	[bflag:$0x3] =	sbarrier.arrive $0xFFFF  }
0x4d: {  	_ =	shalt  }

</sc_bundles>
